<compile_context>
chip_gen: v7x
topology: tpu7x:2x2x1
jax: 0.10.2.dev20260603
libtpu: 0.0.44.dev20260713+nightly
codegen_flags: <defaults>
</compile_context>

<pallas_src>
import functools

import jax
import jax.numpy as jnp
from jax import lax
from jax.experimental import pallas as pl
from jax.experimental.pallas import tpu as pltpu
from jax.experimental.pallas import tpu_sc as plsc

NUM_EMB = 1000000
D = 64
DW = D // 4
G = 2
T = 4096 * 50
NW = 32
N_PER = T // NW
C = 128
NCHUNK = N_PER // C


def _body(x_ref, q_ref, s0_ref, s1_ref, z_ref, out_ref,
          idx_v, qv, sv0, sv1, zv, zf, ov, sem):
    nc = 2
    wid = lax.axis_index("s") * nc + lax.axis_index("c")
    base = wid * N_PER

    lane = lax.iota(jnp.int32, 16)
    m8 = lane < 8
    halfsel = (lane >= 8).astype(jnp.int32)
    e2 = lane * 2
    cols = [lane * 4 + k for k in range(4)]

    def chunk_body(ci, carry):
        cbase = base + ci * C
        pltpu.sync_copy(x_ref.at[pl.ds(cbase, C)], idx_v)
        cp_q = pltpu.async_copy(q_ref.at[idx_v], qv, sem)
        cp_s0 = pltpu.async_copy(s0_ref.at[idx_v], sv0, sem)
        cp_s1 = pltpu.async_copy(s1_ref.at[idx_v], sv1, sem)
        cp_z = pltpu.async_copy(z_ref.at[idx_v], zv, sem)
        cp_q.wait()
        cp_s0.wait()
        cp_s1.wait()
        cp_z.wait()

        def pre_body(j, pcarry):
            zw = zv[pl.ds(j * 16, 16)]
            z0 = ((zw << 24) >> 24).astype(jnp.float32)
            z1 = ((zw << 16) >> 24).astype(jnp.float32)
            pbase = jnp.broadcast_to(j * 32, (16,))
            plsc.store_scatter(zf, [pbase + e2], z0)
            plsc.store_scatter(zf, [pbase + e2 + 1], z1)
            return pcarry

        lax.fori_loop(0, C // 16, pre_body, 0)

        def row_body(i, rcarry):
            w = plsc.bitcast(qv[i, :], jnp.int32)
            b0 = (w << 24) >> 24
            b1 = (w << 16) >> 24
            b2 = (w << 8) >> 24
            b3 = w >> 24
            rowv = jnp.broadcast_to(i, (16,))
            idx_sz = jnp.broadcast_to(i * 2, (16,)) + halfsel
            svec = jnp.where(m8, plsc.load_gather(sv0, [rowv]),
                             plsc.load_gather(sv1, [rowv]))
            zvec = plsc.load_gather(zf, [idx_sz])
            obase = jnp.broadcast_to(i * 64, (16,))
            for k, bk in enumerate((b0, b1, b2, b3)):
                fk = bk.astype(jnp.float32)
                plsc.store_scatter(ov, [obase + cols[k]], (fk - zvec) * svec)
            return rcarry

        lax.fori_loop(0, C, row_body, 0)
        pltpu.sync_copy(ov, out_ref.at[pl.ds(cbase * D, C * D)])
        return carry

    lax.fori_loop(0, NCHUNK, chunk_body, 0)


_sc_call = functools.partial(
    pl.kernel,
    out_type=jax.ShapeDtypeStruct((T * D,), jnp.float32),
    mesh=plsc.VectorSubcoreMesh(core_axis_name="c", subcore_axis_name="s"),
    compiler_params=pltpu.CompilerParams(
        needs_layout_passes=False, use_tc_tiling_on_sc=False),
    scratch_types=[
        pltpu.VMEM((C,), jnp.int32),
        pltpu.VMEM((C, D), jnp.int8),
        pltpu.VMEM((C,), jnp.float32),
        pltpu.VMEM((C,), jnp.float32),
        pltpu.VMEM((C,), jnp.int32),
        pltpu.VMEM((C * G,), jnp.float32),
        pltpu.VMEM((C * D,), jnp.float32),
        pltpu.SemaphoreType.DMA,
    ],
)(_body)


@jax.jit
def kernel(x, qvals, scales, zeros):
    xf = x.reshape(-1)
    z32 = lax.bitcast_convert_type(zeros, jnp.int16).astype(jnp.int32)
    out = _sc_call(xf, qvals, scales.T[0], scales.T[1], z32)
    return out.reshape(*x.shape, D)

# --- scband reference (transcript-rebuilt; emitter-appended) ---
"""Pipeline reference for scband-quantized-embedding-20375324852406 (READ-ONLY COPY).

The authoritative reference and input builder live on the scoring server;
editing this copy changes nothing except your own understanding.
"""

import jax, jax.numpy as jnp
import numpy as np

NUM_EMBEDDINGS = 1000000
EMBEDDING_DIM = 64
GROUP_SIZE = 32
N_GROUPS = EMBEDDING_DIM // GROUP_SIZE


def setup_inputs(seed: int = 0) -> dict:
    key = jax.random.key(seed)
    k1, k2, k3, k4 = jax.random.split(key, 4)
    # forward arg: indices
    x = jax.random.randint(k1, (4096, 50), 0, NUM_EMBEDDINGS, dtype=jnp.int32)
    # learned/packed parameters of the quantized embedding (4-bit qvals simulated as int8 in [-8, 8))
    qvals = jax.random.randint(k2, (NUM_EMBEDDINGS, EMBEDDING_DIM), -8, 8, dtype=jnp.int8)
    scales = jax.random.uniform(k3, (NUM_EMBEDDINGS, N_GROUPS), minval=0.001, maxval=0.02, dtype=jnp.float32)
    zeros = jax.random.randint(k4, (NUM_EMBEDDINGS, N_GROUPS), -8, 8, dtype=jnp.int8)
    return {"x": x, "qvals": qvals, "scales": scales, "zeros": zeros}


def reference(x, qvals, scales, zeros):
    # Faithful dequantizing embedding lookup:
    # out[i] = (qvals[idx[i]] - zeros[idx[i]]) * scales[idx[i]]  (per-group granularity)
    shape = x.shape
    flat = x.reshape(-1)
    q = jnp.take(qvals, flat, axis=0).astype(jnp.float32)          # [T, D]
    s = jnp.take(scales, flat, axis=0)                             # [T, G]
    z = jnp.take(zeros, flat, axis=0).astype(jnp.float32)          # [T, G]
    q = q.reshape(-1, N_GROUPS, GROUP_SIZE)                        # [T, G, gs]
    out = (q - z[:, :, None]) * s[:, :, None]                      # dequantize per group
    out = out.reshape(flat.shape[0], EMBEDDING_DIM)
    return out.reshape(*shape, EMBEDDING_DIM)

if __name__ == "__main__":
    import jax
    _d = setup_inputs()
    print(jax.jit(kernel)(*tuple(_d.values())))

</pallas_src>

<mosaic_0001>
#map = affine_map<(d0, d1) -> (0)>
#map1 = affine_map<(d0, d1) -> (0, 0)>
module attributes {stable_mosaic.version = 14 : i64} {
  func.func @_body(%arg0: i32, %arg1: i32, %arg2: memref<204800xi32, #tpu.memory_space<hbm>>, %arg3: memref<1000000x64xi8, #tpu.memory_space<hbm>>, %arg4: memref<1000000xf32, #tpu.memory_space<hbm>>, %arg5: memref<1000000xf32, #tpu.memory_space<hbm>>, %arg6: memref<1000000xi32, #tpu.memory_space<hbm>>, %arg7: memref<13107200xf32, #tpu.memory_space<hbm>>, %arg8: memref<128xi32, #tpu.memory_space<vmem>>, %arg9: memref<128x64xi8, #tpu.memory_space<vmem>>, %arg10: memref<128xf32, #tpu.memory_space<vmem>>, %arg11: memref<128xf32, #tpu.memory_space<vmem>>, %arg12: memref<128xi32, #tpu.memory_space<vmem>>, %arg13: memref<256xf32, #tpu.memory_space<vmem>>, %arg14: memref<8192xf32, #tpu.memory_space<vmem>>, %arg15: memref<!tpu.dma_semaphore, #tpu.memory_space<semaphore_mem>>) attributes {dimension_semantics = [#tpu.dimension_semantics<core_parallel>, #tpu.dimension_semantics<subcore_parallel>], iteration_bounds = array<i64: 2, 16>, scalar_prefetch = 0 : i64, scratch_operands = 8 : i64, tpu.core_type = #tpu.core_type<sc_vector_subcore>, window_params = [{transform_indices = #map}, {transform_indices = #map1}, {transform_indices = #map}, {transform_indices = #map}, {transform_indices = #map}, {transform_indices = #map}]} {
    %mul3A = arith.constant 2 : i32
    %mul3A_0 = arith.muli %arg1, %mul3A : i32
    %add3A = arith.addi %mul3A_0, %arg0 : i32
    %mul3A_1 = arith.constant 6400 : i32
    %mul3A_2 = arith.muli %add3A, %mul3A_1 : i32
    %iota3A = tpu.iota {dimensions = array<i32: 0>} : vector<16xi32>
    %lt3A = arith.constant 8 : i32
    %lt3A_3 = vector.broadcast %lt3A : i32 to vector<16xi32>
    %lt3A_4 = arith.cmpi slt, %iota3A, %lt3A_3 : vector<16xi32>
    %ge3A = arith.constant 8 : i32
    %ge3A_5 = vector.broadcast %ge3A : i32 to vector<16xi32>
    %ge3A_6 = arith.cmpi sge, %iota3A, %ge3A_5 : vector<16xi32>
    %convert_element_type3A = arith.extui %ge3A_6 : vector<16xi1> to vector<16xi32>
    %mul3A_7 = arith.constant 2 : i32
    %mul3A_8 = vector.broadcast %mul3A_7 : i32 to vector<16xi32>
    %mul3A_9 = arith.muli %iota3A, %mul3A_8 : vector<16xi32>
    %mul3A_10 = arith.constant 4 : i32
    %mul3A_11 = vector.broadcast %mul3A_10 : i32 to vector<16xi32>
    %mul3A_12 = arith.muli %iota3A, %mul3A_11 : vector<16xi32>
    %add3A_13 = arith.constant 0 : i32
    %add3A_14 = vector.broadcast %add3A_13 : i32 to vector<16xi32>
    %add3A_15 = arith.addi %mul3A_12, %add3A_14 : vector<16xi32>
    %mul3A_16 = arith.constant 4 : i32
    %mul3A_17 = vector.broadcast %mul3A_16 : i32 to vector<16xi32>
    %mul3A_18 = arith.muli %iota3A, %mul3A_17 : vector<16xi32>
    %add3A_19 = arith.constant 1 : i32
    %add3A_20 = vector.broadcast %add3A_19 : i32 to vector<16xi32>
    %add3A_21 = arith.addi %mul3A_18, %add3A_20 : vector<16xi32>
    %mul3A_22 = arith.constant 4 : i32
    %mul3A_23 = vector.broadcast %mul3A_22 : i32 to vector<16xi32>
    %mul3A_24 = arith.muli %iota3A, %mul3A_23 : vector<16xi32>
    %add3A_25 = arith.constant 2 : i32
    %add3A_26 = vector.broadcast %add3A_25 : i32 to vector<16xi32>
    %add3A_27 = arith.addi %mul3A_24, %add3A_26 : vector<16xi32>
    %mul3A_28 = arith.constant 4 : i32
    %mul3A_29 = vector.broadcast %mul3A_28 : i32 to vector<16xi32>
    %mul3A_30 = arith.muli %iota3A, %mul3A_29 : vector<16xi32>
    %add3A_31 = arith.constant 3 : i32
    %add3A_32 = vector.broadcast %add3A_31 : i32 to vector<16xi32>
    %add3A_33 = arith.addi %mul3A_30, %add3A_32 : vector<16xi32>
    %scan3A = arith.constant 0 : i32
    %scan3A_34 = arith.constant 0 : i32
    %scan3A_35 = arith.constant 50 : i32
    %scan3A_36 = arith.addi %scan3A_34, %scan3A_35 : i32
    %scan3A_37 = arith.constant 1 : i32
    scf.for %scan3A_39 = %scan3A_34 to %scan3A_36 step %scan3A_37  : i32 {
      %mul3A_40 = arith.constant 128 : i32
      %mul3A_41 = arith.muli %scan3A_39, %mul3A_40 : i32
      %add3A_42 = arith.addi %mul3A_2, %mul3A_41 : i32
      "tpu.region"() ({
        %run_scoped3A = tpu.sem_alloc : memref<!tpu.dma_semaphore, #tpu.memory_space<semaphore_mem>>
        %dma_start3A_73 = tpu.memref_slice %arg2[%add3A_42] : memref<204800xi32, #tpu.memory_space<hbm>> -> memref<128xi32, #tpu.memory_space<hbm>>
        %dma_start3A_74 = tpu.memref_slice %arg2[%add3A_42] : memref<204800xi32, #tpu.memory_space<hbm>> -> memref<128xi32, #tpu.memory_space<hbm>>
        tpu.enqueue_dma source(%dma_start3A_74 : memref<128xi32, #tpu.memory_space<hbm>>) target(%arg8 : memref<128xi32, #tpu.memory_space<vmem>>) target_semaphore(%run_scoped3A : memref<!tpu.dma_semaphore, #tpu.memory_space<semaphore_mem>>)
        %dma_wait3A_75 = tpu.memref_slice %arg2[%add3A_42] : memref<204800xi32, #tpu.memory_space<hbm>> -> memref<128xi32, #tpu.memory_space<hbm>>
        %dma_wait3A_76 = tpu.memref_slice %arg2[%add3A_42] : memref<204800xi32, #tpu.memory_space<hbm>> -> memref<128xi32, #tpu.memory_space<hbm>>
        tpu.wait_dma2 semaphore(%run_scoped3A : memref<!tpu.dma_semaphore, #tpu.memory_space<semaphore_mem>>) src(%dma_wait3A_76 : memref<128xi32, #tpu.memory_space<hbm>>) dst(%arg8 : memref<128xi32, #tpu.memory_space<vmem>>)
        tpu.yield
      }) : () -> ()
      %dma_start3A = arith.constant 0 : i32
      %dma_start3A_43 = arith.constant 0 : i32
      %dma_start3A_44 = tpu.memref_slice %arg3[%dma_start3A, %dma_start3A_43] : memref<1000000x64xi8, #tpu.memory_space<hbm>> -> memref<1000000x64xi8, #tpu.memory_space<hbm>>
      tpu.enqueue_indirect_dma source(%dma_start3A_44 : memref<1000000x64xi8, #tpu.memory_space<hbm>>) target(%arg9 : memref<128x64xi8, #tpu.memory_space<vmem>>) offsets(%arg8 : memref<128xi32, #tpu.memory_space<vmem>>) semaphore(%arg15 : memref<!tpu.dma_semaphore, #tpu.memory_space<semaphore_mem>>)
      %dma_start3A_45 = arith.constant 0 : i32
      %dma_start3A_46 = tpu.memref_slice %arg4[%dma_start3A_45] : memref<1000000xf32, #tpu.memory_space<hbm>> -> memref<1000000xf32, #tpu.memory_space<hbm>>
      tpu.enqueue_indirect_dma source(%dma_start3A_46 : memref<1000000xf32, #tpu.memory_space<hbm>>) target(%arg10 : memref<128xf32, #tpu.memory_space<vmem>>) offsets(%arg8 : memref<128xi32, #tpu.memory_space<vmem>>) semaphore(%arg15 : memref<!tpu.dma_semaphore, #tpu.memory_space<semaphore_mem>>)
      %dma_start3A_47 = arith.constant 0 : i32
      %dma_start3A_48 = tpu.memref_slice %arg5[%dma_start3A_47] : memref<1000000xf32, #tpu.memory_space<hbm>> -> memref<1000000xf32, #tpu.memory_space<hbm>>
      tpu.enqueue_indirect_dma source(%dma_start3A_48 : memref<1000000xf32, #tpu.memory_space<hbm>>) target(%arg11 : memref<128xf32, #tpu.memory_space<vmem>>) offsets(%arg8 : memref<128xi32, #tpu.memory_space<vmem>>) semaphore(%arg15 : memref<!tpu.dma_semaphore, #tpu.memory_space<semaphore_mem>>)
      %dma_start3A_49 = arith.constant 0 : i32
      %dma_start3A_50 = tpu.memref_slice %arg6[%dma_start3A_49] : memref<1000000xi32, #tpu.memory_space<hbm>> -> memref<1000000xi32, #tpu.memory_space<hbm>>
      tpu.enqueue_indirect_dma source(%dma_start3A_50 : memref<1000000xi32, #tpu.memory_space<hbm>>) target(%arg12 : memref<128xi32, #tpu.memory_space<vmem>>) offsets(%arg8 : memref<128xi32, #tpu.memory_space<vmem>>) semaphore(%arg15 : memref<!tpu.dma_semaphore, #tpu.memory_space<semaphore_mem>>)
      %dma_wait3A = arith.constant 0 : i32
      %dma_wait3A_51 = arith.constant 0 : i32
      %dma_wait3A_52 = tpu.memref_slice %arg3[%dma_wait3A, %dma_wait3A_51] : memref<1000000x64xi8, #tpu.memory_space<hbm>> -> memref<1000000x64xi8, #tpu.memory_space<hbm>>
      tpu.wait_indirect_dma semaphore(%arg15 : memref<!tpu.dma_semaphore, #tpu.memory_space<semaphore_mem>>) src(%dma_wait3A_52 : memref<1000000x64xi8, #tpu.memory_space<hbm>>) dst(%arg9 : memref<128x64xi8, #tpu.memory_space<vmem>>)
      %dma_wait3A_53 = arith.constant 0 : i32
      %dma_wait3A_54 = tpu.memref_slice %arg4[%dma_wait3A_53] : memref<1000000xf32, #tpu.memory_space<hbm>> -> memref<1000000xf32, #tpu.memory_space<hbm>>
      tpu.wait_indirect_dma semaphore(%arg15 : memref<!tpu.dma_semaphore, #tpu.memory_space<semaphore_mem>>) src(%dma_wait3A_54 : memref<1000000xf32, #tpu.memory_space<hbm>>) dst(%arg10 : memref<128xf32, #tpu.memory_space<vmem>>)
      %dma_wait3A_55 = arith.constant 0 : i32
      %dma_wait3A_56 = tpu.memref_slice %arg5[%dma_wait3A_55] : memref<1000000xf32, #tpu.memory_space<hbm>> -> memref<1000000xf32, #tpu.memory_space<hbm>>
      tpu.wait_indirect_dma semaphore(%arg15 : memref<!tpu.dma_semaphore, #tpu.memory_space<semaphore_mem>>) src(%dma_wait3A_56 : memref<1000000xf32, #tpu.memory_space<hbm>>) dst(%arg11 : memref<128xf32, #tpu.memory_space<vmem>>)
      %dma_wait3A_57 = arith.constant 0 : i32
      %dma_wait3A_58 = tpu.memref_slice %arg6[%dma_wait3A_57] : memref<1000000xi32, #tpu.memory_space<hbm>> -> memref<1000000xi32, #tpu.memory_space<hbm>>
      tpu.wait_indirect_dma semaphore(%arg15 : memref<!tpu.dma_semaphore, #tpu.memory_space<semaphore_mem>>) src(%dma_wait3A_58 : memref<1000000xi32, #tpu.memory_space<hbm>>) dst(%arg12 : memref<128xi32, #tpu.memory_space<vmem>>)
      %scan3A_59 = arith.constant 0 : i32
      %scan3A_60 = arith.constant 0 : i32
      %scan3A_61 = arith.constant 8 : i32
      %scan3A_62 = arith.addi %scan3A_60, %scan3A_61 : i32
      %scan3A_63 = arith.constant 1 : i32
      scf.for %scan3A_73 = %scan3A_60 to %scan3A_62 step %scan3A_63  : i32 {
        %mul3A_74 = arith.constant 16 : i32
        %mul3A_75 = arith.muli %scan3A_73, %mul3A_74 : i32
        %get3A = arith.index_cast %mul3A_75 : i32 to index
        %get3A_76 = tpu.vector_load %arg12[%get3A] {strides = array<i32>} : memref<128xi32, #tpu.memory_space<vmem>>, vector<16xi32>,
        %shift_left3A = arith.constant 24 : i32
        %shift_left3A_77 = vector.broadcast %shift_left3A : i32 to vector<16xi32>
        %shift_left3A_78 = arith.shli %get3A_76, %shift_left3A_77 : vector<16xi32>
        %shift_right_arithmetic3A = arith.constant 24 : i32
        %shift_right_arithmetic3A_79 = vector.broadcast %shift_right_arithmetic3A : i32 to vector<16xi32>
        %shift_right_arithmetic3A_80 = arith.shrsi %shift_left3A_78, %shift_right_arithmetic3A_79 : vector<16xi32>
        %convert_element_type3A_81 = arith.sitofp %shift_right_arithmetic3A_80 : vector<16xi32> to vector<16xf32>
        %shift_left3A_82 = arith.constant 16 : i32
        %shift_left3A_83 = vector.broadcast %shift_left3A_82 : i32 to vector<16xi32>
        %shift_left3A_84 = arith.shli %get3A_76, %shift_left3A_83 : vector<16xi32>
        %shift_right_arithmetic3A_85 = arith.constant 24 : i32
        %shift_right_arithmetic3A_86 = vector.broadcast %shift_right_arithmetic3A_85 : i32 to vector<16xi32>
        %shift_right_arithmetic3A_87 = arith.shrsi %shift_left3A_84, %shift_right_arithmetic3A_86 : vector<16xi32>
        %convert_element_type3A_88 = arith.sitofp %shift_right_arithmetic3A_87 : vector<16xi32> to vector<16xf32>
        %mul3A_89 = arith.constant 32 : i32
        %mul3A_90 = arith.muli %scan3A_73, %mul3A_89 : i32
        %broadcast_in_dim3A = vector.broadcast %mul3A_90 : i32 to vector<16xi32>
        %add3A_91 = arith.addi %broadcast_in_dim3A, %mul3A_9 : vector<16xi32>
        tpu.vector_store_idx %arg13[%add3A_91], %convert_element_type3A_81 : memref<256xf32, #tpu.memory_space<vmem>>[vector<16xi32>], vector<16xf32>,
        %add3A_92 = arith.addi %broadcast_in_dim3A, %mul3A_9 : vector<16xi32>
        %add3A_93 = arith.constant 1 : i32
        %add3A_94 = vector.broadcast %add3A_93 : i32 to vector<16xi32>
        %add3A_95 = arith.addi %add3A_92, %add3A_94 : vector<16xi32>
        tpu.vector_store_idx %arg13[%add3A_95], %convert_element_type3A_88 : memref<256xf32, #tpu.memory_space<vmem>>[vector<16xi32>], vector<16xf32>,
      }
      %scan3A_64 = arith.constant 8 : i32
      %scan3A_65 = arith.constant 0 : i32
      %scan3A_66 = arith.constant 0 : i32
      %scan3A_67 = arith.constant 128 : i32
      %scan3A_68 = arith.addi %scan3A_66, %scan3A_67 : i32
      %scan3A_69 = arith.constant 1 : i32
      scf.for %scan3A_73 = %scan3A_66 to %scan3A_68 step %scan3A_69  : i32 {
        %get3A = arith.index_cast %scan3A_73 : i32 to index
        %get3A_74 = arith.constant 0 : index
        %get3A_75 = tpu.vector_load %arg9[%get3A, %get3A_74] {strides = array<i32>} : memref<128x64xi8, #tpu.memory_space<vmem>>, vector<64xi8>,
        %bitcast3A = vector.bitcast %get3A_75 : vector<64xi8> to vector<16xi32>
        %shift_left3A = arith.constant 24 : i32
        %shift_left3A_76 = vector.broadcast %shift_left3A : i32 to vector<16xi32>
        %shift_left3A_77 = arith.shli %bitcast3A, %shift_left3A_76 : vector<16xi32>
        %shift_right_arithmetic3A = arith.constant 24 : i32
        %shift_right_arithmetic3A_78 = vector.broadcast %shift_right_arithmetic3A : i32 to vector<16xi32>
        %shift_right_arithmetic3A_79 = arith.shrsi %shift_left3A_77, %shift_right_arithmetic3A_78 : vector<16xi32>
        %shift_left3A_80 = arith.constant 16 : i32
        %shift_left3A_81 = vector.broadcast %shift_left3A_80 : i32 to vector<16xi32>
        %shift_left3A_82 = arith.shli %bitcast3A, %shift_left3A_81 : vector<16xi32>
        %shift_right_arithmetic3A_83 = arith.constant 24 : i32
        %shift_right_arithmetic3A_84 = vector.broadcast %shift_right_arithmetic3A_83 : i32 to vector<16xi32>
        %shift_right_arithmetic3A_85 = arith.shrsi %shift_left3A_82, %shift_right_arithmetic3A_84 : vector<16xi32>
        %shift_left3A_86 = arith.constant 8 : i32
        %shift_left3A_87 = vector.broadcast %shift_left3A_86 : i32 to vector<16xi32>
        %shift_left3A_88 = arith.shli %bitcast3A, %shift_left3A_87 : vector<16xi32>
        %shift_right_arithmetic3A_89 = arith.constant 24 : i32
        %shift_right_arithmetic3A_90 = vector.broadcast %shift_right_arithmetic3A_89 : i32 to vector<16xi32>
        %shift_right_arithmetic3A_91 = arith.shrsi %shift_left3A_88, %shift_right_arithmetic3A_90 : vector<16xi32>
        %shift_right_arithmetic3A_92 = arith.constant 24 : i32
        %shift_right_arithmetic3A_93 = vector.broadcast %shift_right_arithmetic3A_92 : i32 to vector<16xi32>
        %shift_right_arithmetic3A_94 = arith.shrsi %bitcast3A, %shift_right_arithmetic3A_93 : vector<16xi32>
        %broadcast_in_dim3A = vector.broadcast %scan3A_73 : i32 to vector<16xi32>
        %mul3A_95 = arith.constant 2 : i32
        %mul3A_96 = arith.muli %scan3A_73, %mul3A_95 : i32
        %broadcast_in_dim3A_97 = vector.broadcast %mul3A_96 : i32 to vector<16xi32>
        %add3A_98 = arith.addi %broadcast_in_dim3A_97, %convert_element_type3A : vector<16xi32>
        %gather3A = tpu.vector_load_idx %arg10[%broadcast_in_dim3A] : memref<128xf32, #tpu.memory_space<vmem>>[vector<16xi32>], vector<16xf32>,
        %gather3A_99 = tpu.vector_load_idx %arg11[%broadcast_in_dim3A] : memref<128xf32, #tpu.memory_space<vmem>>[vector<16xi32>], vector<16xf32>,
        %select_n3A = arith.select %lt3A_4, %gather3A, %gather3A_99 : vector<16xi1>, vector<16xf32>
        %gather3A_100 = tpu.vector_load_idx %arg13[%add3A_98] : memref<256xf32, #tpu.memory_space<vmem>>[vector<16xi32>], vector<16xf32>,
        %mul3A_101 = arith.constant 64 : i32
        %mul3A_102 = arith.muli %scan3A_73, %mul3A_101 : i32
        %broadcast_in_dim3A_103 = vector.broadcast %mul3A_102 : i32 to vector<16xi32>
        %convert_element_type3A_104 = arith.sitofp %shift_right_arithmetic3A_79 : vector<16xi32> to vector<16xf32>
        %add3A_105 = arith.addi %broadcast_in_dim3A_103, %add3A_15 : vector<16xi32>
        %sub3A = arith.subf %convert_element_type3A_104, %gather3A_100 : vector<16xf32>
        %mul3A_106 = arith.mulf %sub3A, %select_n3A : vector<16xf32>
        tpu.vector_store_idx %arg14[%add3A_105], %mul3A_106 : memref<8192xf32, #tpu.memory_space<vmem>>[vector<16xi32>], vector<16xf32>,
        %convert_element_type3A_107 = arith.sitofp %shift_right_arithmetic3A_85 : vector<16xi32> to vector<16xf32>
        %add3A_108 = arith.addi %broadcast_in_dim3A_103, %add3A_21 : vector<16xi32>
        %sub3A_109 = arith.subf %convert_element_type3A_107, %gather3A_100 : vector<16xf32>
        %mul3A_110 = arith.mulf %sub3A_109, %select_n3A : vector<16xf32>
        tpu.vector_store_idx %arg14[%add3A_108], %mul3A_110 : memref<8192xf32, #tpu.memory_space<vmem>>[vector<16xi32>], vector<16xf32>,
        %convert_element_type3A_111 = arith.sitofp %shift_right_arithmetic3A_91 : vector<16xi32> to vector<16xf32>
        %add3A_112 = arith.addi %broadcast_in_dim3A_103, %add3A_27 : vector<16xi32>
        %sub3A_113 = arith.subf %convert_element_type3A_111, %gather3A_100 : vector<16xf32>
        %mul3A_114 = arith.mulf %sub3A_113, %select_n3A : vector<16xf32>
        tpu.vector_store_idx %arg14[%add3A_112], %mul3A_114 : memref<8192xf32, #tpu.memory_space<vmem>>[vector<16xi32>], vector<16xf32>,
        %convert_element_type3A_115 = arith.sitofp %shift_right_arithmetic3A_94 : vector<16xi32> to vector<16xf32>
        %add3A_116 = arith.addi %broadcast_in_dim3A_103, %add3A_33 : vector<16xi32>
        %sub3A_117 = arith.subf %convert_element_type3A_115, %gather3A_100 : vector<16xf32>
        %mul3A_118 = arith.mulf %sub3A_117, %select_n3A : vector<16xf32>
        tpu.vector_store_idx %arg14[%add3A_116], %mul3A_118 : memref<8192xf32, #tpu.memory_space<vmem>>[vector<16xi32>], vector<16xf32>,
      }
      %scan3A_70 = arith.constant 128 : i32
      %mul3A_71 = arith.constant 64 : i32
      %mul3A_72 = arith.muli %add3A_42, %mul3A_71 : i32
      "tpu.region"() ({
        %run_scoped3A = tpu.sem_alloc : memref<!tpu.dma_semaphore, #tpu.memory_space<semaphore_mem>>
        %dma_start3A_73 = tpu.memref_slice %arg7[%mul3A_72] : memref<13107200xf32, #tpu.memory_space<hbm>> -> memref<8192xf32, #tpu.memory_space<hbm>>
        %dma_start3A_74 = tpu.memref_slice %arg7[%mul3A_72] : memref<13107200xf32, #tpu.memory_space<hbm>> -> memref<8192xf32, #tpu.memory_space<hbm>>
        tpu.enqueue_dma source(%arg14 : memref<8192xf32, #tpu.memory_space<vmem>>) target(%dma_start3A_74 : memref<8192xf32, #tpu.memory_space<hbm>>) target_semaphore(%run_scoped3A : memref<!tpu.dma_semaphore, #tpu.memory_space<semaphore_mem>>)
        %dma_wait3A_75 = tpu.memref_slice %arg7[%mul3A_72] : memref<13107200xf32, #tpu.memory_space<hbm>> -> memref<8192xf32, #tpu.memory_space<hbm>>
        %dma_wait3A_76 = tpu.memref_slice %arg7[%mul3A_72] : memref<13107200xf32, #tpu.memory_space<hbm>> -> memref<8192xf32, #tpu.memory_space<hbm>>
        tpu.wait_dma2 semaphore(%run_scoped3A : memref<!tpu.dma_semaphore, #tpu.memory_space<semaphore_mem>>) src(%arg14 : memref<8192xf32, #tpu.memory_space<vmem>>) dst(%dma_wait3A_76 : memref<8192xf32, #tpu.memory_space<hbm>>)
        tpu.yield
      }) : () -> ()
    }
    %scan3A_38 = arith.constant 50 : i32
    return
  }
}

</mosaic_0001>

<sc_bundles>
// kernel: kernel.3.cloned.1.call-start
scs
__scs_entry_jumppad:
0x0: {  	(pc) =	sbr.rel $0x88, $3  }
0x1: {  	(tag) =	ssettag $0x0;
	lr =	simm.s32 $0x1  }
0x2: {  	[smem:$0x3F9D] =	sst lr;
	_ =	strace $0xD0000000  }
0x3: {  	_ = 	snop  }
0x4: {  	_ = 	snop  }
0x5: {  	_ = 	snop  }
0x6: {  	_ = 	snop  }
0x7: {  	_ = 	snop  }
__scs_overlays_trampoline_lowered:
0x8: {  	[smem:$0x3FAC] =	sst s0  }
0x9: {  	[smem:$0x3FAD] =	sst s1  }
0xa: {  	[smem:$0x3FAE] =	sst s2  }
0xb: {  	[smem:$0x3FAF] =	sst s3  }
0xc: {  	[smem:$0x3FB0] =	sst s4  }
0xd: {  	[smem:$0x3FB1] =	sst s5  }
0xe: {  	[smem:$0x3FB2] =	sst s6  }
0xf: {  	[smem:$0x3FB3] =	sst s7  }
0x10: {  	[smem:$0x3FB4] =	sst s8  }
0x11: {  	[smem:$0x3FB5] =	sst s9;
	s0 =	simm.s32 @!p0 $0x0  }
0x12: {  	s1 =	sld [smem:$0x3F9B];
	s0 =	simm.s32 @p0 $0x1  }
0x13: {  	[smem:$0x3FB6] =	sst s0;
	s0 =	simm.s32 @!p1 $0x0  }
0x14: {  	s2 =	sld [smem:$0x3F9A];
	s0 =	simm.s32 @p1 $0x1  }
0x15: {  	[smem:$0x3FB7] =	sst s0;
	s0 =	simm.s32 @!p2 $0x0  }
0x16: {  	s3 =	sld [smem:$0x3FDB];
	s0 =	simm.s32 @p2 $0x1  }
0x17: {  	s4 =	simm.s32 $0x1BF5;
	[smem:$0x3FB9] =	sst s0  }
0x18: {  	s0 =	sld [smem:$0x3F9C];
	_ =	swait.ge [sflag:s4], $0x0  }
0x19: {  	s7 =	sld [smem:$0x3F9D]  }
0x1a: {  	s8 =	sadd.s32 $0xFFFFE003, lr  }
0x1b: {  	s9 =	sadd.s32 $0xFFFFFEF7, lr;
	s5 =	simm.s32 $0xFFFFFFFF;
	p2 =	slt.u32 s8, $0xFFFFF086  }
0x1c: {  	p1 =	slt.u32 s9, $0xF7A;
	s5 =	simm.s32 @!p2 $0x0  }
0x1d: {  	s5 =	simm.s32 @p1 $0x1;
	p0 =	seq.s32 s7, s2  }
0x1e: {  	s7 =	smul.u32 @!p0 $0xF7A, s2;
	p2 =	seq.s32 @!p0 s5, $0x0  }
0x1f: {  	s9 =	smul.u32 $0xF7A, s1;
	s8 =	simm.s32 @!p0 $0x1BF5;
	p2 =	por !p2, p0  }
0x20: {  	[sflag:s8] =	ssyncset.s32 @!p0 $0xFFFFF086;
	s6 =	sadd.s32 @!p0 s3, s7;
	s7 =	simm.s32 @!p0 $0x108  }
0x21: {  	s3 =	sadd.s32 s3, s9;
	s6 =	sadd.s32 @!p0 $0x88, s6;
	s7 =	simm.s32 @p2 $0x1082  }
0x22: {  	[simem:s7], [sflag:s8] =	dma.local @!p0 [hbm:s6], $0xF7A  }
0x23: {  	s9 =	sor.u32 $0xD0000000, s2;
	s6 =	simm.s32 $0x108;
	_ =	swait.ge @!p0 [sflag:s8], $0x0  }
0x24: {  	s3 =	sadd.s32 $0x88, s3;
	s6 =	simm.s32 @!p1 $0x1082;
	[sflag:s4] =	ssyncset.s32 $0xFFFFF086  }
0x25: {  	[simem:s6], [sflag:s4] =	dma.local [hbm:s3], $0xF7A  }
0x26: {  	[smem:$0x3F9D] =	sst s1;
	(tag) =	ssettag s2;
	_ =	strace s9  }
0x27: {  	s1 =	sld [smem:$0x3FAD]  }
0x28: {  	s2 =	sld [smem:$0x3FAE]  }
0x29: {  	s4 =	sld [smem:$0x3FB0]  }
0x2a: {  	p0 =	seq.s32 s5, $0x0;
	s5 =	sld [smem:$0x3FB1]  }
0x2b: {  	s6 =	sld [smem:$0x3FB2]  }
0x2c: {  	s7 =	sld [smem:$0x3FB3]  }
0x2d: {  	s3 =	simm.s32 $0x108;
	s8 =	sld [smem:$0x3FB4]  }
0x2e: {  	s3 =	simm.s32 @!p0 $0x1082;
	s9 =	sld [smem:$0x3FB5]  }
0x2f: {  	lr =	sadd.s32 s0, s3;
	s0 =	sld [smem:$0x3FAC]  }
0x30: {  	s3 =	sld [smem:$0x3FAF]  }
0x31: {  	[smem:$0x3FB8] =	sst s10  }
0x32: {  	s10 =	sld [smem:$0x3FB6];
	_ =	sdelay $0x3  }
0x33: {  	p0 =	seq.s32 s10, $0x1;
	s10 =	sld [smem:$0x3FB8];
	_ =	sdelay $0x3  }
0x34: {  	[smem:$0x3FB8] =	sst s10  }
0x35: {  	s10 =	sld [smem:$0x3FB7];
	_ =	sdelay $0x3  }
0x36: {  	p1 =	seq.s32 s10, $0x1;
	s10 =	sld [smem:$0x3FB8];
	_ =	sdelay $0x3  }
0x37: {  	[smem:$0x3FB8] =	sst s10  }
0x38: {  	s10 =	sld [smem:$0x3FB9]  }
0x39: {  	_ = 	snop;
	(pc) =	sbr.ind lr, $3  }
0x3a: {  	_ = 	snop  }
0x3b: {  	_ = 	snop  }
0x3c: {  	p2 =	seq.s32 s10, $0x1;
	s10 =	sld [smem:$0x3FB8]  }
0x3d: {  	_ =	shalt  }
0x3e: {  	_ =	shalt  }
0x3f: {  	_ =	shalt  }
0x40: {  	_ =	shalt  }
0x41: {  	_ =	shalt  }
0x42: {  	_ =	shalt  }
0x43: {  	_ =	shalt  }
0x44: {  	_ =	shalt  }
0x45: {  	_ =	shalt  }
0x46: {  	_ =	shalt  }
0x47: {  	_ =	shalt  }
0x48: {  	_ =	shalt  }
0x49: {  	_ =	shalt  }
0x4a: {  	_ =	shalt  }
0x4b: {  	_ =	shalt  }
0x4c: {  	_ =	shalt  }
0x4d: {  	_ =	shalt  }
0x4e: {  	_ =	shalt  }
0x4f: {  	_ =	shalt  }
0x50: {  	_ =	shalt  }
0x51: {  	_ =	shalt  }
0x52: {  	_ =	shalt  }
0x53: {  	_ =	shalt  }
0x54: {  	_ =	shalt  }
0x55: {  	_ =	shalt  }
0x56: {  	_ =	shalt  }
0x57: {  	_ =	shalt  }
0x58: {  	_ =	shalt  }
0x59: {  	_ =	shalt  }
0x5a: {  	_ =	shalt  }
0x5b: {  	_ =	shalt  }
0x5c: {  	_ =	shalt  }
0x5d: {  	_ =	shalt  }
0x5e: {  	_ =	shalt  }
0x5f: {  	_ =	shalt  }
0x60: {  	_ =	shalt  }
0x61: {  	_ =	shalt  }
0x62: {  	_ =	shalt  }
0x63: {  	_ =	shalt  }
0x64: {  	_ =	shalt  }
0x65: {  	_ =	shalt  }
0x66: {  	_ =	shalt  }
0x67: {  	_ =	shalt  }
0x68: {  	_ =	shalt  }
0x69: {  	_ =	shalt  }
0x6a: {  	_ =	shalt  }
0x6b: {  	_ =	shalt  }
0x6c: {  	_ =	shalt  }
0x6d: {  	_ =	shalt  }
0x6e: {  	_ =	shalt  }
0x6f: {  	_ =	shalt  }
0x70: {  	_ =	shalt  }
0x71: {  	_ =	shalt  }
0x72: {  	_ =	shalt  }
0x73: {  	_ =	shalt  }
0x74: {  	_ =	shalt  }
0x75: {  	_ =	shalt  }
0x76: {  	_ =	shalt  }
0x77: {  	_ =	shalt  }
0x78: {  	_ =	shalt  }
0x79: {  	_ =	shalt  }
0x7a: {  	_ =	shalt  }
0x7b: {  	_ =	shalt  }
0x7c: {  	_ =	shalt  }
0x7d: {  	_ =	shalt  }
0x7e: {  	_ =	shalt  }
0x7f: {  	_ =	shalt  }
0x80: {  	_ =	shalt  }
0x81: {  	_ =	shalt  }
0x82: {  	_ =	shalt  }
0x83: {  	_ =	shalt  }
0x84: {  	_ =	shalt  }
0x85: {  	_ =	shalt  }
0x86: {  	_ =	shalt  }
0x87: {  	_ =	shalt  }
.Lfunc_end0:
.L_simem_size_0:
called_computation.2_lowered:
.L_overlay_start_0:
0x88: {  	s2 =	sld [smem:$0x3FD9]  }
0x89: {  	s3 =	sld [smem:$0x3FFE];
	_ =	sdelay $0x1  }
0x8a: {  	s1 =	srdreg.scid  }
0x8b: {  	s0 =	sand.u32 $0x1, s1  }
0x8c: {  	s17 =	sshll.u32 s0, $0xA;
	s2 =	sadd.s32 s3, s2  }
0x8d: {  	s2 =	sadd.s32 s2, s17  }
0x8e: {  	[smem:$0x3FC4] =	sst s2  }
0x8f: {  	_ = 	snop  }
0x90: {  	s2 =	sld [smem:$0x3FD0];
	(tm) =	ssettm $0x1  }
0x91: {  	s18 =	sld [smem:$0x3FFB];
	_ =	sdelay $0x3  }
0x92: {  	_ =	strace s18  }
0x93: {  	s3 =	sld [smem:$0x3FFC];
	_ =	sdelay $0x3  }
0x94: {  	_ =	strace s3  }
0x95: {  	s3 =	sld [smem:$0x3FFD];
	_ =	sdelay $0x3  }
0x96: {  	_ =	strace s3  }
0x97: {  	_ =	strace $0x8FFFFFFF  }
0x98: {  	s19 =	sld [smem:$0x3FDB];
	_ =	sdelay $0x1  }
0x99: {  	s4 =	simm.s32 $_scs_section_size  }
0x9a: {  	s5 =	simm.s32 $_size__tile_overlayer_lowered;
	s6 =	simm.s32 $_tile_overlayer_lowered  }
0x9b: {  	s22 =	simm.s32 $0x1BFF;
	s21 =	sshll.u32 s6, $0x1;
	s3 =	sadd.s32 s4, s19  }
0x9c: {  	s7 =	simm.s32 $0x0;
	s20 =	sshll.u32 s5, $0x1;
	s5 =	sadd.s32 s21, s3  }
0x9d: {  	[timem:s7], [sflag:s22] =	dma.local [hbm:s5], s20  }
0x9e: {  	_ =	swait.ge [sflag:s22], s20  }
0x9f: {  	s4 =	ssub.s32 $0x0, s20;
	[sflag:s22] =	ssyncset.done $0x0  }
0xa0: {  	[sflag:s22] =	ssyncadd.s32 s4;
	_ =	sdelay $0x1  }
0xa1: {  	s23 =	simm.s32 $0x1B8B  }
0xa2: {  	_ =	swait.ge [sflag:s23], $0x1  }
0xa3: {  	[sflag:s23] =	ssyncset.done $0x0  }
0xa4: {  	s25 =	simm.s32 $0x1B8E;
	s24 =	sld [smem:$0x3FFE];
	[sflag:s23] =	ssyncadd.s32 $0xFFFFFFFF  }
0xa5: {  	s26 =	simm.s32 $execute0_lowered;
	[smem:$0x3FD2] =	sst s25  }
0xa6: {  	s5 =	sshll.u32 s26, $0x1;
	_ =	strace $0x80000049;
	[dreg:$0x1] =	wrdreg $0xFFFFFFFF  }
0xa7: {  	s28 =	simm.s32 $_size_execute0_lowered;
	s3 =	sadd.s32 s3, s5;
	[dreg:$0x0] =	wrdreg $0x0  }
0xa8: {  	s5 =	sshll.u32 s28, $0x1;
	[dreg:$0x2] =	wrdreg s3  }
0xa9: {  	[dreg:$0x3] =	wrdreg s5  }
0xaa: {  	[dreg:$0x4] =	wrdreg $0xC0  }
0xab: {  	_ =	task [dreg:s7], $0x5FFFF  }
0xac: {  	[dreg:$0x1] =	wrdreg $0xFFFFFFFF  }
0xad: {  	[dreg:$0x0] =	wrdreg $0x60  }
0xae: {  	[dreg:$0x2] =	wrdreg s24  }
0xaf: {  	[dreg:$0x3] =	wrdreg s2  }
0xb0: {  	[dreg:$0x4] =	wrdreg $0x9  }
0xb1: {  	_ =	task.clear_ibuf [dreg:s7], $0x5FFFF;
	_ =	strace $0x90000049  }
0xb2: {  	s29 =	simm.s32 $0x9;
	_ =	strace $0x8000004B  }
0xb3: {  	_ =	swait.ge [sflag:s29], $0x1  }
0xb4: {  	[sflag:s29] =	ssyncadd.s32 $0xFFFFFFFF  }
0xb5: {  	_ =	strace $0x9000004B  }
0xb6: {  	_ =	sfence  }
0xb7: {  	s30 =	sld [smem:$0x0];
	_ =	sdelay $0x2  }
0xb8: {  	s31 =	sshll.u32 s1, $0xD;
	s1 =	sshrl.u32 s1, $0x2  }
0xb9: {  	s3 =	sand.u32 $0x4000, s31;
	s1 =	sadd.s32 s1, s30  }
0xba: {  	s0 =	sor.u32 s3, s0;
	s1 =	sshll.u32 s1, $0x11  }
0xbb: {  	s0 =	sor.u32 s1, s0  }
0xbc: {  	s0 =	sadd.s32 $0x8F2B, s0  }
0xbd: {  	[sflag:s0] =	ssyncadd.remote.s32 $0x1  }
0xbe: {  	_ =	sfence.sel $0xFFFF  }
0xbf: {  	[dreg:$0x0] =	wrdreg $0xFFFFFFFF;
	(pc) =	sbr.abs _section_cstart, $3  }
0xc0: {  	[dreg:$0x1] =	wrdreg $0xFFFFFFFF  }
0xc1: {  	_ =	task.clear_ibuf [dreg:s7], $0x2FFFF;
	_ =	strace $0x9FFFFFFF  }
0xc2: {  	(tm) =	ssettm $0x7FFFFFFF  }
0xc3: {  	_ =	shalt  }
tec
execute0_lowered:
.L_overlay_start_1:
0x0: {  	(tag) =	ssettag $0x1  }
0x1: {  	s8 =	rddreg [dreg:$0x0]  }
0x2: {  	s1 =	rddreg [dreg:$0x1]  }
0x3: {  	s0 =	rddreg [dreg:$0x2];
	s2 =	simm.s32 $0x0;
	s6 =	srdreg.scid  }
0x4: {  	s3 =	stileid.u32;
	s13 =	simm.s32 $0x880;
	s14 =	simm.s32 $0x900  }
0x5: {  	s15 =	simm.s32 $0x1;
	s16 =	simm.s32 $0xA00;
	s17 =	simm.s32 $0xB00  }
0x6: {  	s18 =	simm.s32 $0x0;
	[smem:$0x7FF] =	sst s2;
	s4 =	sadd.s32 $0x3F0000, s8  }
0x7: {  	v4 =	vlaneseq.u32;
	s5 =	sadd.s32 $0x1E9000, s8;
	s9 =	sand.u32 $0x1, s6;
	s6 =	sadd.s32 $0x414E00, s8  }
0x8: {  	s11 =	sshll.u32 s3, $0x1;
	v0 =	vand.u32 $0x3, v4;
	s7 =	sadd.s32 $0x3F6400, s8;
	v2 =	vmul.u32 $0x4, v4;
	s10 =	ssub.s32 $0x2, s9  }
0x9: {  	vm0 =	vmmov $0xff;
	s8 =	sadd.s32 $0x3D1600, s8;
	_ =	strace $0x8000004A;
	v1 =	vmul.u32 $0x2, v0;
	v0 =	vmul.u32 $0x2, v4;
	s12 =	sshrl.u32 s10, $0x1  }
0xa: {  	s9 =	sor.u32 s9, s11;
	s11 =	simm.s32 $0x2;
	v4 =	vshrl.u32 v4, $0x3;
	v5 =	vor.u32 $0x1, v2;
	v6 =	vor.u32 $0x2, v2;
	s10 =	ssub.s32 s10, s12  }
0xb: {  	s9 =	smul.u32 $0x1900, s9;
	v7 =	vor.u32 $0x3, v2;
	s12 =	simm.s32 $0x80;
	v1 =	vor.u32 $0xFFFFFFF8, v1;
	v3 =	vor.u32 $0x1, v0;
	s10 =	smax.u32 s10, $0x1  }
.LBB2_1:
0xc: {  	s19 =	simm.s32 $0x0  }
.LBB2_2:
0xd: {  	s20 =	sshll.u32 s19, $0x7  }
0xe: {  	s20 =	sadd.s32 s9, s20  }
0xf: {  	s21 =	sshrl.u32 s20, $0x3  }
0x10: {  	s22 =	sadd.s32 s4, s21;
	s21 =	simm.s32 $0x0  }
0x11: {  	[tilespmem:s21], [sflag:$0x2] =	stream.linear.gather [hbm4b:s22+s21], $0x80, $0x38;
	[tilespmem:$0x2B00] =	vst v63  }
0x12: {  	_ =	swait.ge [sflag:s11], $0x80  }
0x13: {  	[sflag:s11] =	ssyncset.done $0x0  }
0x14: {  	[sflag:s11] =	ssyncadd.s32 $0xFFFFFF80  }
0x15: {  	[tilespmem:s12], [sflag:$0x1] =	stream.indirect.gather [hbm4b:s5+s12], $0x10, s21, s12, $0xb8;
	[tilespmem:$0x2B00] =	vst v63  }
0x16: {  	_ = 	snop  }
0x17: {  	[tilespmem:s13], [sflag:$0x1] =	stream.indirect.gather [hbm4b:s6+s12], $0x1, s21, s12, $0xb8;
	[tilespmem:$0x2B00] =	vst v63  }
0x18: {  	_ = 	snop  }
0x19: {  	[tilespmem:s14], [sflag:$0x1] =	stream.indirect.gather [hbm4b:s7+s12], $0x1, s21, s12, $0xb8;
	[tilespmem:$0x2B00] =	vst v63  }
0x1a: {  	s22 =	simm.s32 $0x980  }
0x1b: {  	[tilespmem:s22], [sflag:$0x1] =	stream.indirect.gather [hbm4b:s8+s12], $0x1, s21, s12, $0xb8;
	[tilespmem:$0x2B00] =	vst v63  }
0x1c: {  	_ =	swait.ge [sflag:s15], $0x800  }
0x1d: {  	[sflag:s15] =	ssyncset.done $0x0  }
0x1e: {  	[sflag:s15] =	ssyncadd.s32 $0xFFFFF800  }
0x1f: {  	_ =	swait.ge [sflag:s15], $0x80  }
0x20: {  	[sflag:s15] =	ssyncset.done $0x0  }
0x21: {  	[sflag:s15] =	ssyncadd.s32 $0xFFFFFF80  }
0x22: {  	_ =	swait.ge [sflag:s15], $0x80  }
0x23: {  	[sflag:s15] =	ssyncset.done $0x0  }
0x24: {  	[sflag:s15] =	ssyncadd.s32 $0xFFFFFF80  }
0x25: {  	_ =	swait.ge [sflag:s15], $0x80  }
0x26: {  	[sflag:s15] =	ssyncset.done $0x0  }
0x27: {  	[sflag:s15] =	ssyncadd.s32 $0xFFFFFF80  }
0x28: {  	v8 =	vld [tilespmem:s22+$0x0]  }
0x29: {  	s24 =	simm.s32 $0x20;
	s23 =	simm.s32 $0x0  }
.LBB2_3:
0x2a: {  	p0 =	sne.s32 s24, $0xE0  }
0x2b: {  	v9 =	vor.u32 s23, v0  }
0x2c: {  	v9 =	vand.u32 v1, v9  }
0x2d: {  	v11 =	vor.u32 s23, v3;
	s23 =	smov.u32 s24;
	v10 =	vshll.u32 v8, $0x18;
	v8 =	vshll.u32 v8, $0x10  }
0x2e: {  	v10 =	vshra.s32 v10, $0x18  }
0x2f: {  	v8 =	vshra.s32 v8, $0x18;
	v10 =	vcvt.s32.f32 v10  }
.Ltmp0:
0x30: {  	v8 =	vcvt.s32.f32 v8;
	(pc) =	sbr.rel @p0 .LBB2_3-.Ltmp0, $4  }
0x31: {  	[tilespmem:v9+s16+$0x0] =	vst.idx.msk $0xffff, v10  }
0x32: {  	s22 =	sadd.s32 $0x10, s22;
	[tilespmem:v11+s16+$0x0] =	vst.idx.msk $0xffff, v8  }
0x33: {  	v8 =	vld [tilespmem:s22+$0x0]  }
0x34: {  	s24 =	sadd.s32 $0x20, s24  }
0x35: {  	_ = 	snop  }
0x36: {  	v9 =	vor.u32 s23, v0  }
0x37: {  	v9 =	vand.u32 v1, v9  }
0x38: {  	v11 =	vor.u32 s23, v3;
	v10 =	vshll.u32 v8, $0x18  }
0x39: {  	v8 =	vshll.u32 v8, $0x10;
	v10 =	vshra.s32 v10, $0x18  }
0x3a: {  	v8 =	vshra.s32 v8, $0x18;
	v10 =	vcvt.s32.f32 v10  }
0x3b: {  	v8 =	vcvt.s32.f32 v8  }
0x3c: {  	[tilespmem:v9+s16+$0x0] =	vst.idx.msk $0xffff, v10;
	v9 =	vmov s21  }
0x3d: {  	s22 =	simm.s32 $0x0;
	[tilespmem:v11+s16+$0x0] =	vst.idx.msk $0xffff, v8;
	v8 =	vor.u32 s21, v4  }
0x3e: {  	v10 =	vld [tilespmem:s22+$0x80];
	_ =	sdelay $0x2  }
0x3f: {  	v11 =	vld.idx.msk [tilespmem:v9+s14+$0x0], $0xffff  }
0x40: {  	v8 =	vld.idx.msk [tilespmem:v8+s16+$0x0], $0xffff  }
0x41: {  	v9 =	vld.idx.msk [tilespmem:v9+s13+$0x0], $0xffff;
	v12 =	vshll.u32 v10, $0x18  }
0x42: {  	v13 =	vor.u32 s21, v6;
	v14 =	vshll.u32 v10, $0x10;
	v12 =	vshra.s32 v12, $0x18  }
0x43: {  	v15 =	vshll.u32 v10, $0x8;
	v14 =	vshra.s32 v14, $0x18;
	v12 =	vcvt.s32.f32 v12  }
0x44: {  	v16 =	vor.u32 s21, v2;
	v15 =	vshra.s32 v15, $0x18;
	v14 =	vcvt.s32.f32 v14  }
0x45: {  	v17 =	vor.u32 s21, v5;
	v15 =	vcvt.s32.f32 v15;
	v12 =	vsub.f32 v12, v8  }
0x46: {  	v10 =	vshra.s32 v10, $0x18;
	v11 =	vsel vm0, v9, v11;
	v9 =	vsub.f32 v14, v8  }
0x47: {  	v10 =	vcvt.s32.f32 v10;
	v61 =	vsub.f32 v15, v8;
	v12 =	vmul.f32 v12, v11  }
0x48: {  	v62 =	vmul.f32 v9, v11;
	v9 =	vor.u32 s21, v7  }
0x49: {  	v10 =	vsub.f32 v10, v8;
	v63 =	vmul.f32 v61, v11;
	[tilespmem:v16+s17+$0x0] =	vst.idx.msk $0xffff, v12  }
0x4a: {  	s25 =	simm.s32 $0x1;
	s23 =	simm.s32 $0x2;
	s24 =	simm.s32 $0x2;
	[tilespmem:v17+s17+$0x0] =	vst.idx.msk $0xffff, v62  }
0x4b: {  	s22 =	simm.s32 $0x40;
	v8 =	vmov s25;
	s25 =	simm.s32 $0x80;
	s21 =	simm.s32 $0x10;
	v11 =	vmul.f32 v10, v11;
	v10 =	vor.u32 s23, v4;
	[tilespmem:v13+s17+$0x0] =	vst.idx.msk $0xffff, v63  }
.LBB2_5:
0x4c: {  	s26 =	sshra.s32 s25, $0x2  }
0x4d: {  	p0 =	sne.s32 s24, $0x7F;
	[tilespmem:v9+s17+$0x0] =	vst.idx.msk $0xffff, v11;
	s28 =	smov.u32 s24;
	s24 =	sadd.s32 $0x1, s24  }
0x4e: {  	v9 =	vld [tilespmem:s21+$0x80];
	s21 =	smov.u32 s26;
	_ =	sdelay $0x1  }
0x4f: {  	v11 =	vld.idx.msk [tilespmem:v8+s14+$0x0], $0xffff  }
0x50: {  	v10 =	vld.idx.msk [tilespmem:v10+s16+$0x0], $0xffff  }
0x51: {  	v12 =	vor.u32 s22, v6;
	v8 =	vld.idx.msk [tilespmem:v8+s13+$0x0], $0xffff  }
0x52: {  	v13 =	vshll.u32 v9, $0x18;
	v14 =	vshll.u32 v9, $0x10;
	v15 =	vshll.u32 v9, $0x8  }
0x53: {  	v9 =	vshra.s32 v9, $0x18;
	v13 =	vshra.s32 v13, $0x18;
	v15 =	vshra.s32 v15, $0x18  }
0x54: {  	v14 =	vshra.s32 v14, $0x18;
	v13 =	vcvt.s32.f32 v13;
	v15 =	vcvt.s32.f32 v15  }
0x55: {  	v16 =	vor.u32 s22, v2;
	v9 =	vcvt.s32.f32 v9;
	v14 =	vcvt.s32.f32 v14  }
0x56: {  	v17 =	vor.u32 s22, v5;
	v13 =	vsub.f32 v13, v10;
	v15 =	vsub.f32 v15, v10  }
0x57: {  	v11 =	vsel vm0, v8, v11;
	v8 =	vsub.f32 v14, v10;
	v10 =	vsub.f32 v9, v10  }
.Ltmp1:
0x58: {  	v9 =	vor.u32 s22, v7;
	s22 =	smov.u32 s25;
	v13 =	vmul.f32 v13, v11;
	(pc) =	sbr.rel @p0 .LBB2_5-.Ltmp1, $4  }
0x59: {  	v14 =	vmul.f32 v8, v11  }
0x5a: {  	[tilespmem:v16+s17+$0x0] =	vst.idx.msk $0xffff, v13;
	v13 =	vmul.f32 v15, v11  }
0x5b: {  	s23 =	sadd.s32 $0x2, s23;
	v8 =	vmov s28;
	v11 =	vmul.f32 v10, v11;
	[tilespmem:v17+s17+$0x0] =	vst.idx.msk $0xffff, v14  }
0x5c: {  	s25 =	sadd.s32 $0x40, s25;
	v10 =	vor.u32 s23, v4;
	[tilespmem:v12+s17+$0x0] =	vst.idx.msk $0xffff, v13  }
0x5d: {  	_ =	sdelay $0x3  }
0x5e: {  	[tilespmem:v9+s17+$0x0] =	vst.idx.msk $0xffff, v11  }
0x5f: {  	v9 =	vld [tilespmem:s21+$0x80];
	_ =	sdelay $0x2  }
0x60: {  	v11 =	vld.idx.msk [tilespmem:v8+s14+$0x0], $0xffff  }
0x61: {  	v10 =	vld.idx.msk [tilespmem:v10+s16+$0x0], $0xffff  }
0x62: {  	v12 =	vor.u32 s22, v6;
	v8 =	vld.idx.msk [tilespmem:v8+s13+$0x0], $0xffff;
	v13 =	vshll.u32 v9, $0x18  }
0x63: {  	v16 =	vor.u32 s22, v2;
	v14 =	vshll.u32 v9, $0x10;
	v13 =	vshra.s32 v13, $0x18  }
0x64: {  	v15 =	vshll.u32 v9, $0x8;
	v14 =	vshra.s32 v14, $0x18;
	v13 =	vcvt.s32.f32 v13  }
0x65: {  	v17 =	vor.u32 s22, v5;
	v15 =	vshra.s32 v15, $0x18;
	v14 =	vcvt.s32.f32 v14  }
0x66: {  	v9 =	vshra.s32 v9, $0x18;
	v15 =	vcvt.s32.f32 v15;
	v13 =	vsub.f32 v13, v10  }
0x67: {  	v8 =	vsel vm0, v8, v11;
	v9 =	vcvt.s32.f32 v9;
	v59 =	vsub.f32 v14, v10  }
0x68: {  	v61 =	vor.u32 s22, v7;
	v60 =	vsub.f32 v15, v10;
	v13 =	vmul.f32 v13, v8  }
0x69: {  	v9 =	vsub.f32 v9, v10;
	v62 =	vmul.f32 v59, v8  }
0x6a: {  	v63 =	vmul.f32 v60, v8;
	[tilespmem:v16+s17+$0x0] =	vst.idx.msk $0xffff, v13  }
0x6b: {  	s19 =	sadd.s32 $0x1, s19;
	v8 =	vmul.f32 v9, v8;
	[tilespmem:v17+s17+$0x0] =	vst.idx.msk $0xffff, v62  }
0x6c: {  	s20 =	sshll.u32 s20, $0x3;
	p0 =	sne.s32 s19, $0x32;
	[tilespmem:v12+s17+$0x0] =	vst.idx.msk $0xffff, v63  }
.Ltmp2:
0x6d: {  	s20 =	sadd.s32 s1, s20;
	[tilespmem:v61+s17+$0x0] =	vst.idx.msk $0xffff, v8;
	(pc) =	sbr.rel @p0 .LBB2_2-.Ltmp2, $4  }
0x6e: {  	[hbm4b:s20+s2] =	stream.linear.scatter [tilespmem:s17], [sflag:$0x2], $0x2000, $0x38;
	[tilespmem:$0x2B00] =	vst v63  }
0x6f: {  	_ =	swait.ge [sflag:s11], $0x2000  }
0x70: {  	[sflag:s11] =	ssyncset.done $0x0  }
0x71: {  	[sflag:s11] =	ssyncadd.s32 $0xFFFFE000  }
0x72: {  	s18 =	sadd.s32 $0x1, s18  }
0x73: {  	p0 =	sne.s32 s18, s10  }
.Ltmp3:
0x74: {  	_ = 	snop;
	(pc) =	sbr.rel @p0 .LBB2_1-.Ltmp3, $1  }
0x75: {  	_ =	sdelay $0x3  }
0x76: {  	_ =	sfence.sel $0x180000  }
0x77: {  	[bflag:$0x0] =	sbarrier.arrive $0xFFFF  }
0x78: {  	p0 =	sne.s32 s3, $0x0;
	_ =	strace $0x9000004A  }
0x79: {  	s0 =	sadd.s32 @!p0 $0x100000, s0;
	[bflag:$0x2] =	sbarrier.arrive $0xFFFF  }
0x7a: {  	[sflag:s0] =	ssyncadd.tile.s32 @!p0 $0x1;
	_ =	shalt  }
.Lfunc_end2:
_tile_overlayer_lowered:
.L_overlay_start_2:
0x7b: {  	(tag) =	ssettag $0x2  }
0x7c: {  	s0 =	rddreg [dreg:$0x0];
	s2 =	stileid.u32  }
0x7d: {  	s1 =	rddreg [dreg:$0x1];
	p0 =	sne.s32 s2, $0x0  }
0x7e: {  	s3 =	rddreg [dreg:$0x2];
	[bflag:$0x3] =	sbarrier.arrive $0xFFFF;
	s2 =	simm.s32 @!p0 $0x1C02  }
0x7f: {  	[timem:s3], [sflag:s2] =	dma.local @!p0 [hbm:s0], s1  }
0x80: {  	s0 =	simm.s32 @!p0 $0x2  }
0x81: {  	_ =	swait.ge @!p0 [sflag:s0], s1  }
0x82: {  	s1 =	ssub.s32 @!p0 $0x0, s1;
	[sflag:s0] =	ssyncset.done @!p0 $0x0  }
0x83: {  	[sflag:s0] =	ssyncadd.s32 @!p0 s1  }
0x84: {  	[bflag:$0x3] =	sbarrier.arrive $0xFFFF  }
0x85: {  	_ =	shalt  }

// kernel: sparse-core-data-format-call.1.cloned.1.call-start
scs
called_computation.1_lowered:
.L_overlay_start_0:
0x0: {  	s1 =	sld [smem:$0x3FD9]  }
0x1: {  	s2 =	sld [smem:$0x3FFE];
	_ =	sdelay $0x1  }
0x2: {  	s3 =	srdreg.scid  }
0x3: {  	s0 =	sand.u32 $0x1, s3  }
0x4: {  	s17 =	sshll.u32 s0, $0xA;
	s1 =	sadd.s32 s2, s1  }
0x5: {  	s1 =	sadd.s32 s1, s17  }
0x6: {  	[smem:$0x3FC4] =	sst s1  }
0x7: {  	_ = 	snop  }
0x8: {  	(tm) =	ssettm $0x1  }
0x9: {  	s18 =	sld [smem:$0x3FFB];
	_ =	sdelay $0x3  }
0xa: {  	_ =	strace s18  }
0xb: {  	s1 =	sld [smem:$0x3FFC];
	_ =	sdelay $0x3  }
0xc: {  	_ =	strace s1  }
0xd: {  	s1 =	sld [smem:$0x3FFD];
	_ =	sdelay $0x3  }
0xe: {  	_ =	strace s1  }
0xf: {  	_ =	strace $0x8FFFFFFF  }
0x10: {  	s19 =	sld [smem:$0x3FDB];
	_ =	sdelay $0x1  }
0x11: {  	s20 =	simm.s32 $_scs_section_size  }
0x12: {  	s4 =	simm.s32 $_size__tile_overlayer_lowered;
	s5 =	simm.s32 $_tile_overlayer_lowered  }
0x13: {  	s23 =	simm.s32 $0x1BFF;
	s22 =	sshll.u32 s5, $0x1;
	s1 =	sadd.s32 s20, s19  }
0x14: {  	s6 =	simm.s32 $0x0;
	s21 =	sshll.u32 s4, $0x1;
	s4 =	sadd.s32 s22, s1  }
0x15: {  	[timem:s6], [sflag:s23] =	dma.local [hbm:s4], s21  }
0x16: {  	_ =	swait.ge [sflag:s23], s21  }
0x17: {  	s2 =	ssub.s32 $0x0, s21;
	[sflag:s23] =	ssyncset.done $0x0  }
0x18: {  	[sflag:s23] =	ssyncadd.s32 s2;
	_ =	sdelay $0x1  }
0x19: {  	s24 =	simm.s32 $0x1B8B  }
0x1a: {  	_ =	swait.ge [sflag:s24], $0x1  }
0x1b: {  	[sflag:s24] =	ssyncset.done $0x0  }
0x1c: {  	s26 =	simm.s32 $0x1B8E;
	s25 =	sld [smem:$0x3FFE];
	[sflag:s24] =	ssyncadd.s32 $0xFFFFFFFF  }
0x1d: {  	s27 =	simm.s32 $execute0_lowered;
	[smem:$0x3FD2] =	sst s26  }
0x1e: {  	s4 =	sshll.u32 s27, $0x1;
	_ =	strace $0x80000046;
	[dreg:$0x1] =	wrdreg $0xFFFFFFFF  }
0x1f: {  	s28 =	simm.s32 $_size_execute0_lowered;
	s1 =	sadd.s32 s1, s4;
	[dreg:$0x0] =	wrdreg $0x0  }
0x20: {  	s4 =	sshll.u32 s28, $0x1;
	[dreg:$0x2] =	wrdreg s1  }
0x21: {  	[dreg:$0x3] =	wrdreg s4  }
0x22: {  	[dreg:$0x4] =	wrdreg $0xC0  }
0x23: {  	_ =	task [dreg:s6], $0x5FFFF  }
0x24: {  	[dreg:$0x1] =	wrdreg $0xFFFFFFFF  }
0x25: {  	[dreg:$0x0] =	wrdreg $0x60  }
0x26: {  	[dreg:$0x2] =	wrdreg s25  }
0x27: {  	[dreg:$0x3] =	wrdreg $0x9  }
0x28: {  	_ =	task.clear_ibuf [dreg:s6], $0x4FFFF;
	_ =	strace $0x90000046  }
0x29: {  	s29 =	simm.s32 $0x9;
	_ =	strace $0x80000048  }
0x2a: {  	_ =	swait.ge [sflag:s29], $0x1  }
0x2b: {  	[sflag:s29] =	ssyncadd.s32 $0xFFFFFFFF  }
0x2c: {  	_ =	strace $0x90000048  }
0x2d: {  	_ =	sfence  }
0x2e: {  	s30 =	sld [smem:$0x0];
	_ =	sdelay $0x2  }
0x2f: {  	s31 =	sshll.u32 s3, $0xD;
	s3 =	sshrl.u32 s3, $0x2  }
0x30: {  	s2 =	sand.u32 $0x4000, s31;
	s1 =	sadd.s32 s3, s30  }
0x31: {  	s0 =	sor.u32 s2, s0;
	s1 =	sshll.u32 s1, $0x11  }
0x32: {  	s0 =	sor.u32 s1, s0  }
0x33: {  	s0 =	sadd.s32 $0x8F2B, s0  }
0x34: {  	[sflag:s0] =	ssyncadd.remote.s32 $0x1  }
0x35: {  	_ =	sfence.sel $0xFFFF  }
0x36: {  	[dreg:$0x0] =	wrdreg $0xFFFFFFFF;
	(pc) =	sbr.abs _section_cstart, $3  }
0x37: {  	[dreg:$0x1] =	wrdreg $0xFFFFFFFF  }
0x38: {  	_ =	task.clear_ibuf [dreg:s6], $0x2FFFF;
	_ =	strace $0x9FFFFFFF  }
0x39: {  	(tm) =	ssettm $0x7FFFFFFF  }
tec
execute0_lowered:
.L_overlay_start_1:
0x0: {  	(tag) =	ssettag $0x1  }
0x1: {  	s0 =	srdreg.scid  }
0x2: {  	s4 =	rddreg [dreg:$0x0];
	s1 =	stileid.u32  }
0x3: {  	s5 =	simm.s32 $0x1;
	s7 =	simm.s32 $0x2;
	s0 =	sshll.u32 s0, $0x4  }
0x4: {  	s8 =	simm.s32 $0x0;
	s12 =	simm.s32 $0x0;
	s2 =	sand.u32 $0x10, s0  }
.Ltmp0:
0x5: {  	s10 =	simm.s32 $0x0;
	s3 =	sor.u32 s1, s2;
	(pc) =	sbr.rel .LBB1_1-.Ltmp0, $4  }
0x6: {  	s11 =	simm.s32 $0x0;
	s0 =	rddreg [dreg:$0x1];
	s3 =	sshll.u32 s3, $0x3  }
0x7: {  	_ =	strace $0x80000047;
	s2 =	sadd.s32 $0xA00, s4;
	s6 =	ssub.s32 $0x3D08, s3  }
0x8: {  	s4 =	sadd.s32 $0x1E9000, s4;
	[sflag:s5] =	ssyncpa.u1 $0x0;
	s6 =	sshrl.u32 s6, $0x8  }
0x9: {  	[sflag:s7] =	ssyncpa.u1 $0x0;
	s9 =	smov.u32 s3;
	s7 =	sor.u32 $0x2, s6  }
.LBB1_9:
0xa: {  	s14 =	sshll.u32 s10, $0x7  }
0xb: {  	s14 =	sadd.s32 s4, s14  }
0xc: {  	[hbm4b:s14+s8] =	stream.linear.scatter [tilespmem:s15], [sflag:$0x2], s13, $0x38;
	[tilespmem:$0x8000] =	vst v63  }
.LBB1_10:
0xd: {  	p0 =	slt.u32 s11, $0x2  }
0xe: {  	p1 =	sgt.s32 @!p0 s12, $0x3D01  }
0xf: {  	s13 =	smov.u32 s12;
	s14 =	sshra.s32 @!p0 s12, $0x1F;
	p1 =	por !p1, p0  }
0x10: {  	s12 =	sand.u32 @!p0 s14, s12;
	s13 =	simm.s32 @p1 $0x3D01  }
0x11: {  	s12 =	ssub.s32 @!p0 s13, s12  }
0x12: {  	s12 =	sadd.s32 @!p0 $0xFFFFC2FF, s12  }
0x13: {  	s13 =	sshll.u32 @!p0 s12, $0xC  }
0x14: {  	p1 =	sgt.s32 @!p0 s12, $0x7;
	s12 =	ssub.s32 @!p0 $0x8000, s13  }
0x15: {  	s14 =	sadd.s32 $0x100, s9;
	p1 =	por !p1, p0;
	s12 =	sshrl.u32 @!p0 s12, $0x2  }
0x16: {  	s12 =	simm.s32 @!p1 $0x0;
	p1 =	sgt.s32 s14, $0x3D08  }
0x17: {  	s14 =	smov.u32 @p1 s3;
	p1 =	sne.s32 s11, s7  }
.Ltmp1:
0x18: {  	_ = 	snop;
	(pc) =	sbr.rel @!p1 .LBB1_11-.Ltmp1, $4  }
0x19: {  	s13 =	simm.s32 @!p0 $0x2  }
0x1a: {  	_ =	swait.ge @!p0 [sflag:s13], s12;
	s15 =	ssub.s32 @!p0 $0x0, s12  }
0x1b: {  	s12 =	smov.u32 s10;
	s11 =	sadd.s32 $0x1, s11;
	[sflag:s13] =	ssyncset.done @!p0 $0x0  }
0x1c: {  	s10 =	smov.u32 s9;
	s9 =	smov.u32 s14;
	[sflag:s13] =	ssyncadd.s32 @!p0 s15  }
.LBB1_1:
0x1d: {  	p0 =	sgt.u32 s11, s6  }
0x1e: {  	p1 =	sgt.s32 @!p0 s9, $0x3D01  }
0x1f: {  	s13 =	smov.u32 s9;
	s14 =	sshra.s32 @!p0 s9, $0x1F;
	p1 =	por !p1, p0  }
0x20: {  	s14 =	sand.u32 @!p0 s14, s9;
	s13 =	simm.s32 @p1 $0x3D01  }
0x21: {  	s13 =	ssub.s32 @!p0 s13, s14  }
0x22: {  	s13 =	sadd.s32 @!p0 $0xFFFFC2FF, s13  }
0x23: {  	s15 =	sshll.u32 @!p0 s9, $0x7;
	s16 =	simm.s32 @!p0 $0x0;
	s14 =	sshll.u32 @!p0 s13, $0xC  }
0x24: {  	p1 =	sgt.s32 @!p0 s13, $0x7;
	s13 =	ssub.s32 @!p0 $0x8000, s14;
	s14 =	sxor.u32 @!p0 $0xFFFFFFFF, s11  }
0x25: {  	p1 =	por !p1, p0;
	s13 =	sshrl.u32 @!p0 s13, $0x2;
	s14 =	sshll.u32 @!p0 s14, $0xD  }
0x26: {  	s15 =	sadd.s32 @!p0 s2, s15;
	s13 =	simm.s32 @!p1 $0x0;
	s14 =	sand.u32 @!p0 $0x2000, s14  }
0x27: {  	[tilespmem:s14], [sflag:$0x1] =	stream.linear.gather @!p0 [hbm4b:s15+s16], s13, $0x38;
	[tilespmem:$0x8000] =	vst v63  }
0x28: {  	p0 =	seq.s32 s11, $0x0  }
0x29: {  	p1 =	sge.u32 @!p0 s11, s7  }
0x2a: {  	p0 =	por p0, p1  }
.Ltmp2:
0x2b: {  	_ = 	snop;
	(pc) =	sbr.rel @p0 .LBB1_10-.Ltmp2, $1  }
0x2c: {  	_ =	sdelay $0x3  }
0x2d: {  	p0 =	sgt.s32 s10, $0x3D01;
	s13 =	smov.u32 s10;
	s14 =	sshra.s32 s10, $0x1F  }
0x2e: {  	s13 =	simm.s32 @!p0 $0x3D01;
	s14 =	sand.u32 s14, s10  }
0x2f: {  	s13 =	ssub.s32 s13, s14  }
0x30: {  	s13 =	sadd.s32 $0xFFFFC2FF, s13  }
0x31: {  	s31 =	sshll.u32 s13, $0xC  }
0x32: {  	s14 =	ssub.s32 $0x8000, s31  }
0x33: {  	p0 =	sgt.s32 s13, $0x7;
	s13 =	sshrl.u32 s14, $0x2;
	s14 =	sadd.s32 $0x8, s10  }
0x34: {  	s13 =	simm.s32 @p0 $0x0;
	p0 =	slt.s32 s14, $0x3D09  }
0x35: {  	s14 =	simm.s32 @!p0 $0x3D09  }
0x36: {  	s14 =	ssub.s32 s14, s10  }
0x37: {  	p0 =	slt.s32 s14, $0x1  }
.Ltmp3:
0x38: {  	_ = 	snop;
	(pc) =	sbr.rel @p0 .LBB1_9-.Ltmp3, $4  }
0x39: {  	s16 =	sshll.u32 s11, $0xF  }
0x3a: {  	s16 =	sand.u32 $0x8000, s16;
	_ =	swait.ge [sflag:s5], s13  }
0x3b: {  	s16 =	sshrl.u32 s16, $0x2;
	s15 =	ssub.s32 $0x0, s13;
	[sflag:s5] =	ssyncset.done $0x0  }
0x3c: {  	[sflag:s5] =	ssyncadd.s32 s15;
	s15 =	sor.u32 $0x4000, s16  }
0x3d: {  	s17 =	simm.s32 $0x0  }
.LBB1_4:
0x3e: {  	s18 =	sshll.u32 s17, $0xC  }
0x3f: {  	s18 =	sshra.s32 s18, $0x2  }
0x40: {  	s19 =	sadd.s32 s18, s16  }
0x41: {  	s20 =	sadd.s32 $0x100, s19;
	v0 =	vmov s19  }
0x42: {  	s21 =	sadd.s32 $0x200, s19;
	v1 =	vmov s20  }
0x43: {  	s22 =	sadd.s32 $0x300, s19;
	v2 =	vmov s21  }
0x44: {  	p1 =	por $0x1, $0x1;
	s18 =	sadd.s32 s18, s15;
	v3 =	vmov s22;
	s20 =	simm.s32 $0x0  }
.LBB1_5:
0x45: {  	s19 =	sshll.u32 s20, $0x7  }
0x46: {  	s21 =	sand.u32 $0x3FFFFF80, s19  }
0x47: {  	p0 =	por p1, p1;
	s21 =	sadd.s32 s21, s18  }
0x48: {  	s22 =	sadd.s32 $0x80, s21;
	s23 =	sadd.s32 $0x100, s21;
	s24 =	sadd.s32 $0x180, s21;
	v4 =	vmov s21  }
0x49: {  	s20 =	sshll.u32 s20, $0x5;
	p1 =	por $0x1, $0x1;
	s21 =	simm.s32 $0x0;
	v5 =	vmov s22;
	v6 =	vmov s23;
	v7 =	vmov s24  }
.LBB1_6:
0x4a: {  	s22 =	sor.u32 s20, s21  }
0x4b: {  	v8 =	vld.idx.msk [tilespmem:v0+s22+$0x0 ss:$0x1], $0xffff  }
0x4c: {  	v9 =	vld.idx.msk [tilespmem:v1+s22+$0x0 ss:$0x1], $0xffff  }
0x4d: {  	v10 =	vld.idx.msk [tilespmem:v2+s22+$0x0 ss:$0x1], $0xffff;
	_ =	sdelay $0x1  }
0x4e: {  	v13 =	vld.idx.msk [tilespmem:v3+s22+$0x0 ss:$0x1], $0xffff  }
0x4f: {  	v24 =	vld.idx.msk [tilespmem:v0+s22+$0x10 ss:$0x1], $0xffff;
	v11 =	vshrl.u32 v8, $0x10;
	v12 =	vshrl.u32 v8, $0x8;
	v14 =	vshrl.u32 v8, $0x18  }
0x50: {  	v38 =	vld.idx.msk [tilespmem:v1+s22+$0x10 ss:$0x1], $0xffff;
	v8 =	vand.u32 $0xFF, v8;
	v15 =	vshrl.u32 v9, $0x10;
	v16 =	vshrl.u32 v9, $0x8  }
0x51: {  	v43 =	vld.idx.msk [tilespmem:v2+s22+$0x10 ss:$0x1], $0xffff;
	v17 =	vshrl.u32 v9, $0x18;
	v9 =	vand.u32 $0xFF, v9;
	v18 =	vshrl.u32 v10, $0x10  }
0x52: {  	v46 =	vld.idx.msk [tilespmem:v3+s22+$0x10 ss:$0x1], $0xffff;
	v19 =	vshrl.u32 v10, $0x8;
	v20 =	vshrl.u32 v10, $0x18;
	v10 =	vand.u32 $0xFF, v10  }
0x53: {  	v21 =	vshrl.u32 v13, $0x18;
	v22 =	vshrl.u32 v13, $0x10;
	v23 =	vshrl.u32 v13, $0x8  }
0x54: {  	v13 =	vand.u32 $0xFF, v13;
	v44 =	vshrl.u32 v24, $0x10;
	v45 =	vshrl.u32 v24, $0x8  }
0x55: {  	v47 =	vshrl.u32 v24, $0x18;
	v48 =	vand.u32 $0xFF, v24;
	v49 =	vshrl.u32 v38, $0x10  }
0x56: {  	v50 =	vshrl.u32 v38, $0x8;
	v51 =	vshrl.u32 v38, $0x18;
	v52 =	vshrl.u32 v43, $0x10  }
0x57: {  	v53 =	vshrl.u32 v43, $0x8;
	v54 =	vshrl.u32 v43, $0x18;
	v25 =	vshrl.u32 v46, $0x10  }
0x58: {  	v26 =	vand.u32 $0xFF, v46;
	v55 =	vshrl.u32 v46, $0x8;
	v11 =	vand.u32 $0xFF, v11  }
0x59: {  	v12 =	vand.u32 $0xFF, v12;
	v15 =	vand.u32 $0xFF, v15;
	v16 =	vand.u32 $0xFF, v16  }
0x5a: {  	v18 =	vand.u32 $0xFF, v18;
	v19 =	vand.u32 $0xFF, v19;
	v22 =	vand.u32 $0xFF, v22  }
0x5b: {  	v23 =	vand.u32 $0xFF, v23;
	v8 =	vpack.i.b32.b16 v10, v8;
	v9 =	vpack.i.b32.b16 v13, v9  }
0x5c: {  	s23 =	sshll.u32 s21, $0x2;
	v41 =	vpack.i.b32.b16 v20, v14;
	v42 =	vpack.i.b32.b16 v21, v17;
	v13 =	vand.u32 $0xFF, v44  }
0x5d: {  	s21 =	sor.u32 $0x80, s23;
	v20 =	vand.u32 $0xFF, v50;
	v14 =	vand.u32 $0xFF, v43;
	v25 =	vand.u32 $0xFF, v25  }
0x5e: {  	s31 =	sor.u32 s19, s21;
	v62 =	vpack.i.b32.b16 v54, v47;
	v8 =	vpack.i.b16.b8 v9, v8;
	v36 =	vpack.i.b32.b16 v19, v12  }
0x5f: {  	s22 =	sshra.s32 s31, $0x2;
	v37 =	vpack.i.b32.b16 v23, v16;
	v39 =	vpack.i.b32.b16 v18, v11;
	v40 =	vpack.i.b32.b16 v22, v15  }
0x60: {  	v56 =	vld.idx.msk [tilespmem:v0+s22+$0x0 ss:$0x1], $0xffff;
	v11 =	vpack.i.b16.b8 v42, v41;
	v15 =	vand.u32 $0xFF, v45;
	v19 =	vand.u32 $0xFF, v49  }
0x61: {  	v59 =	vld.idx.msk [tilespmem:v1+s22+$0x0 ss:$0x1], $0xffff;
	v12 =	vand.u32 $0xFF, v38;
	v22 =	vand.u32 $0xFF, v52;
	v23 =	vand.u32 $0xFF, v53  }
0x62: {  	v61 =	vld.idx.msk [tilespmem:v2+s22+$0x0 ss:$0x1], $0xffff;
	v14 =	vpack.i.b32.b16 v14, v48;
	v16 =	vshrl.u32 v46, $0x18;
	v18 =	vand.u32 $0xFF, v55  }
0x63: {  	v63 =	vld.idx.msk [tilespmem:v3+s22+$0x0 ss:$0x1], $0xffff;
	v9 =	vpack.i.b16.b8 v37, v36;
	v10 =	vpack.i.b16.b8 v40, v39;
	v12 =	vpack.i.b32.b16 v26, v12  }
0x64: {  	v57 =	vpack.i.b32.b16 v23, v15;
	v58 =	vpack.i.b32.b16 v18, v20;
	v13 =	vpack.i.b32.b16 v22, v13  }
0x65: {  	v60 =	vpack.i.b32.b16 v25, v19;
	v16 =	vpack.i.b32.b16 v16, v51;
	v25 =	vshrl.u32 v56, $0x10  }
0x66: {  	v27 =	vshrl.u32 v56, $0x8;
	v28 =	vshrl.u32 v56, $0x18;
	v29 =	vand.u32 $0xFF, v56  }
0x67: {  	v30 =	vshrl.u32 v59, $0x18;
	v31 =	vshrl.u32 v59, $0x10;
	v32 =	vshrl.u32 v59, $0x8  }
0x68: {  	s23 =	sshra.s32 s23, $0x2;
	v33 =	vand.u32 $0xFF, v61;
	v18 =	vand.u32 $0xFF, v59;
	v34 =	vand.u32 $0xFF, v63  }
0x69: {  	v35 =	vshrl.u32 v61, $0x10;
	[tilespmem:v4+s23+$0x0 ss:$0x1] =	vst.idx.msk $0xffff, v8;
	v8 =	vshrl.u32 v61, $0x18;
	v19 =	vshrl.u32 v61, $0x8  }
0x6a: {  	v37 =	vshrl.u32 v63, $0x8;
	v39 =	vshrl.u32 v63, $0x10;
	v40 =	vshrl.u32 v63, $0x18  }
0x6b: {  	v12 =	vpack.i.b16.b8 v12, v14;
	v14 =	vpack.i.b16.b8 v58, v57;
	v13 =	vpack.i.b16.b8 v60, v13  }
0x6c: {  	v15 =	vpack.i.b16.b8 v16, v62;
	v16 =	vand.u32 $0xFF, v25;
	v20 =	vand.u32 $0xFF, v27  }
0x6d: {  	[tilespmem:v7+s23+$0x0 ss:$0x1] =	vst.idx.msk $0xffff, v11;
	v24 =	vand.u32 $0xFF, v31;
	v22 =	vpack.i.b32.b16 v33, v29;
	v25 =	vand.u32 $0xFF, v32  }
0x6e: {  	v43 =	vld.idx.msk [tilespmem:v2+s22+$0x10 ss:$0x1], $0xffff;
	v18 =	vpack.i.b32.b16 v34, v18;
	v26 =	vand.u32 $0xFF, v35;
	[tilespmem:v5+s23+$0x0 ss:$0x1] =	vst.idx.msk $0xffff, v9;
	v36 =	vand.u32 $0xFF, v19  }
0x6f: {  	v38 =	vld.idx.msk [tilespmem:v0+s22+$0x10 ss:$0x1], $0xffff;
	[tilespmem:v6+s23+$0x0 ss:$0x1] =	vst.idx.msk $0xffff, v10;
	v19 =	vand.u32 $0xFF, v37;
	v10 =	vand.u32 $0xFF, v39;
	v8 =	vpack.i.b32.b16 v8, v28  }
0x70: {  	v42 =	vld.idx.msk [tilespmem:v1+s22+$0x10 ss:$0x1], $0xffff;
	v11 =	vpack.i.b32.b16 v40, v30;
	v18 =	vpack.i.b16.b8 v18, v22;
	v9 =	vpack.i.b32.b16 v36, v20  }
0x71: {  	v41 =	vpack.i.b32.b16 v19, v25;
	v16 =	vpack.i.b32.b16 v26, v16;
	v10 =	vpack.i.b32.b16 v10, v24  }
0x72: {  	v46 =	vld.idx.msk [tilespmem:v3+s22+$0x10 ss:$0x1], $0xffff;
	v8 =	vpack.i.b16.b8 v11, v8;
	v9 =	vpack.i.b16.b8 v41, v9;
	v10 =	vpack.i.b16.b8 v10, v16  }
0x73: {  	v53 =	vshrl.u32 v43, $0x18;
	v54 =	vshrl.u32 v43, $0x8;
	v55 =	vshrl.u32 v43, $0x10  }
0x74: {  	[tilespmem:v4+s23+$0x10 ss:$0x1] =	vst.idx.msk $0xffff, v12;
	v16 =	vand.u32 $0xFF, v43;
	v44 =	vshrl.u32 v38, $0x10;
	v45 =	vshrl.u32 v38, $0x8  }
0x75: {  	[tilespmem:v5+s23+$0x10 ss:$0x1] =	vst.idx.msk $0xffff, v14;
	v47 =	vshrl.u32 v38, $0x18;
	v48 =	vand.u32 $0xFF, v38;
	v49 =	vshrl.u32 v42, $0x10  }
0x76: {  	[tilespmem:v6+s23+$0x10 ss:$0x1] =	vst.idx.msk $0xffff, v13;
	v50 =	vshrl.u32 v42, $0x8;
	v51 =	vshrl.u32 v42, $0x18;
	v52 =	vand.u32 $0xFF, v42  }
0x77: {  	s21 =	sshrl.u32 s21, $0x2;
	[tilespmem:v7+s23+$0x10 ss:$0x1] =	vst.idx.msk $0xffff, v15;
	v22 =	vand.u32 $0xFF, v54;
	v56 =	vshrl.u32 v46, $0x10;
	v57 =	vshrl.u32 v46, $0x8  }
0x78: {  	[tilespmem:v5+s21+$0x0 ss:$0x1] =	vst.idx.msk $0xffff, v9;
	v58 =	vand.u32 $0xFF, v46;
	v9 =	vand.u32 $0xFF, v55;
	v11 =	vand.u32 $0xFF, v44  }
0x79: {  	[tilespmem:v4+s21+$0x0 ss:$0x1] =	vst.idx.msk $0xffff, v18;
	v12 =	vand.u32 $0xFF, v45;
	v20 =	vand.u32 $0xFF, v49;
	v21 =	vand.u32 $0xFF, v50  }
0x7a: {  	[tilespmem:v7+s21+$0x0 ss:$0x1] =	vst.idx.msk $0xffff, v8;
	v8 =	vand.u32 $0xFF, v57;
	v13 =	vpack.i.b32.b16 v16, v48;
	v59 =	vpack.i.b32.b16 v58, v52  }
0x7b: {  	p2 =	por p1, p1;
	[tilespmem:v6+s21+$0x0 ss:$0x1] =	vst.idx.msk $0xffff, v10;
	v10 =	vand.u32 $0xFF, v56;
	v12 =	vpack.i.b32.b16 v22, v12;
	v8 =	vpack.i.b32.b16 v8, v21  }
.Ltmp4:
0x7c: {  	v62 =	vpack.i.b32.b16 v53, v47;
	v13 =	vpack.i.b16.b8 v59, v13;
	v8 =	vpack.i.b16.b8 v8, v12;
	(pc) =	sbr.rel @p2 .LBB1_6-.Ltmp4, $4  }
0x7d: {  	v60 =	vshrl.u32 v46, $0x18;
	v61 =	vpack.i.b32.b16 v10, v20;
	[tilespmem:v5+s21+$0x10 ss:$0x1] =	vst.idx.msk $0xffff, v8;
	v8 =	vpack.i.b32.b16 v9, v11  }
0x7e: {  	v63 =	vpack.i.b32.b16 v60, v51;
	[tilespmem:v4+s21+$0x10 ss:$0x1] =	vst.idx.msk $0xffff, v13;
	v8 =	vpack.i.b16.b8 v61, v8  }
0x7f: {  	[tilespmem:v6+s21+$0x10 ss:$0x1] =	vst.idx.msk $0xffff, v8;
	v8 =	vpack.i.b16.b8 v63, v62  }
0x80: {  	p1 =	por $0x0, $0x0;
	[tilespmem:v7+s21+$0x10 ss:$0x1] =	vst.idx.msk $0xffff, v8;
	s21 =	simm.s32 $0x40  }
.Ltmp5:
0x81: {  	(pc) =	sbr.rel @p0 .LBB1_5-.Ltmp5, $2  }
0x82: {  	_ =	sdelay $0x2  }
0x83: {  	s20 =	simm.s32 $0x4;
	p1 =	por $0x0, $0x0  }
0x84: {  	s17 =	sadd.s32 $0x1, s17  }
0x85: {  	p0 =	sne.s32 s17, s14  }
.Ltmp6:
0x86: {  	_ = 	snop;
	(pc) =	sbr.rel @p0 .LBB1_4-.Ltmp6, $4  }
.Ltmp7:
0x87: {  	_ = 	snop;
	(pc) =	sbr.rel @!p0 .LBB1_9-.Ltmp7, $4  }
0x88: {  	_ = 	snop  }
0x89: {  	_ = 	snop  }
0x8a: {  	_ = 	snop  }
0x8b: {  	_ = 	snop  }
.LBB1_11:
0x8c: {  	_ =	sfence.sel $0x180000  }
0x8d: {  	s2 =	simm.s32 $0x1;
	[bflag:$0x0] =	sbarrier.arrive $0xFFFF  }
0x8e: {  	s31 =	simm.s32 $0x2;
	[sflag:s2] =	ssyncpa.u1 $0x1  }
0x8f: {  	[sflag:s31] =	ssyncpa.u1 $0x1  }
0x90: {  	p0 =	sne.s32 s1, $0x0;
	_ =	strace $0x90000047  }
0x91: {  	s0 =	sadd.s32 @!p0 $0x100000, s0;
	[bflag:$0x2] =	sbarrier.arrive $0xFFFF  }
0x92: {  	[sflag:s0] =	ssyncadd.tile.s32 @!p0 $0x1;
	_ =	shalt  }
.Lfunc_end1:
_tile_overlayer_lowered:
.L_overlay_start_2:
0x93: {  	(tag) =	ssettag $0x2  }
0x94: {  	s0 =	rddreg [dreg:$0x0];
	s2 =	stileid.u32  }
0x95: {  	s1 =	rddreg [dreg:$0x1];
	p0 =	sne.s32 s2, $0x0  }
0x96: {  	s3 =	rddreg [dreg:$0x2];
	[bflag:$0x3] =	sbarrier.arrive $0xFFFF;
	s2 =	simm.s32 @!p0 $0x1C01  }
0x97: {  	[timem:s3], [sflag:s2] =	dma.local @!p0 [hbm:s0], s1  }
0x98: {  	s0 =	simm.s32 @!p0 $0x1  }
0x99: {  	_ =	swait.ge @!p0 [sflag:s0], s1  }
0x9a: {  	s1 =	ssub.s32 @!p0 $0x0, s1;
	[sflag:s0] =	ssyncset.done @!p0 $0x0  }
0x9b: {  	[sflag:s0] =	ssyncadd.s32 @!p0 s1  }
0x9c: {  	[bflag:$0x3] =	sbarrier.arrive $0xFFFF  }
0x9d: {  	_ =	shalt  }

// kernel: sparse-core-data-format-call.cloned.1.call-start
scs
called_computation_lowered:
.L_overlay_start_0:
0x0: {  	s2 =	sld [smem:$0x3FD9]  }
0x1: {  	s3 =	sld [smem:$0x3FFE];
	_ =	sdelay $0x1  }
0x2: {  	s1 =	srdreg.scid  }
0x3: {  	s0 =	sand.u32 $0x1, s1  }
0x4: {  	s18 =	sshll.u32 s0, $0xA;
	s2 =	sadd.s32 s3, s2  }
0x5: {  	s2 =	sadd.s32 s2, s18  }
0x6: {  	[smem:$0x3FC4] =	sst s2  }
0x7: {  	_ = 	snop  }
0x8: {  	s2 =	sld [smem:$0x3FD0];
	(tm) =	ssettm $0x1  }
0x9: {  	s19 =	sld [smem:$0x3FFB];
	_ =	sdelay $0x3  }
0xa: {  	_ =	strace s19  }
0xb: {  	s3 =	sld [smem:$0x3FFC];
	_ =	sdelay $0x3  }
0xc: {  	_ =	strace s3  }
0xd: {  	s3 =	sld [smem:$0x3FFD];
	_ =	sdelay $0x3  }
0xe: {  	_ =	strace s3  }
0xf: {  	_ =	strace $0x8FFFFFFF  }
0x10: {  	s20 =	sld [smem:$0x3FDB];
	_ =	sdelay $0x1  }
0x11: {  	s4 =	simm.s32 $_scs_section_size  }
0x12: {  	s5 =	simm.s32 $_size__tile_overlayer_lowered;
	s6 =	simm.s32 $_tile_overlayer_lowered  }
0x13: {  	s23 =	simm.s32 $0x1BFF;
	s22 =	sshll.u32 s6, $0x1;
	s3 =	sadd.s32 s4, s20  }
0x14: {  	s7 =	simm.s32 $0x0;
	s21 =	sshll.u32 s5, $0x1;
	s5 =	sadd.s32 s22, s3  }
0x15: {  	[timem:s7], [sflag:s23] =	dma.local [hbm:s5], s21  }
0x16: {  	_ =	swait.ge [sflag:s23], s21  }
0x17: {  	s4 =	ssub.s32 $0x0, s21;
	[sflag:s23] =	ssyncset.done $0x0  }
0x18: {  	[sflag:s23] =	ssyncadd.s32 s4;
	_ =	sdelay $0x1  }
0x19: {  	s24 =	simm.s32 $0x1B8B  }
0x1a: {  	_ =	swait.ge [sflag:s24], $0x1  }
0x1b: {  	[sflag:s24] =	ssyncset.done $0x0  }
0x1c: {  	s26 =	simm.s32 $0x1B8E;
	s25 =	sld [smem:$0x3FFE];
	[sflag:s24] =	ssyncadd.s32 $0xFFFFFFFF  }
0x1d: {  	s27 =	simm.s32 $execute0_lowered;
	[smem:$0x3FD2] =	sst s26  }
0x1e: {  	s5 =	sshll.u32 s27, $0x1;
	_ =	strace $0x8000004C;
	[dreg:$0x1] =	wrdreg $0xFFFFFFFF  }
0x1f: {  	s28 =	simm.s32 $_size_execute0_lowered;
	s3 =	sadd.s32 s3, s5;
	[dreg:$0x0] =	wrdreg $0x0  }
0x20: {  	s5 =	sshll.u32 s28, $0x1;
	[dreg:$0x2] =	wrdreg s3  }
0x21: {  	[dreg:$0x3] =	wrdreg s5  }
0x22: {  	[dreg:$0x4] =	wrdreg $0xC0  }
0x23: {  	_ =	task [dreg:s7], $0x5FFFF  }
0x24: {  	[dreg:$0x1] =	wrdreg $0xFFFFFFFF  }
0x25: {  	[dreg:$0x0] =	wrdreg $0x60  }
0x26: {  	[dreg:$0x2] =	wrdreg s25  }
0x27: {  	[dreg:$0x3] =	wrdreg s2  }
0x28: {  	[dreg:$0x4] =	wrdreg $0x9  }
0x29: {  	_ =	task.clear_ibuf [dreg:s7], $0x5FFFF;
	_ =	strace $0x9000004C  }
0x2a: {  	s29 =	simm.s32 $0x9;
	_ =	strace $0x8000004E  }
0x2b: {  	_ =	swait.ge [sflag:s29], $0x1  }
0x2c: {  	[sflag:s29] =	ssyncadd.s32 $0xFFFFFFFF  }
0x2d: {  	_ =	strace $0x9000004E  }
0x2e: {  	_ =	sfence  }
0x2f: {  	s30 =	sld [smem:$0x0];
	_ =	sdelay $0x2  }
0x30: {  	s31 =	sshll.u32 s1, $0xD;
	s1 =	sshrl.u32 s1, $0x2  }
0x31: {  	s3 =	sand.u32 $0x4000, s31;
	s1 =	sadd.s32 s1, s30  }
0x32: {  	s0 =	sor.u32 s3, s0;
	s1 =	sshll.u32 s1, $0x11  }
0x33: {  	s0 =	sor.u32 s1, s0  }
0x34: {  	s0 =	sadd.s32 $0x8F2B, s0  }
0x35: {  	[sflag:s0] =	ssyncadd.remote.s32 $0x1  }
0x36: {  	_ =	sfence.sel $0xFFFF  }
0x37: {  	[dreg:$0x0] =	wrdreg $0xFFFFFFFF;
	(pc) =	sbr.abs _section_cstart, $3  }
0x38: {  	[dreg:$0x1] =	wrdreg $0xFFFFFFFF  }
0x39: {  	_ =	task.clear_ibuf [dreg:s7], $0x2FFFF;
	_ =	strace $0x9FFFFFFF  }
0x3a: {  	(tm) =	ssettm $0x7FFFFFFF  }
0x3b: {  	_ =	shalt  }
tec
execute0_lowered:
.L_overlay_start_1:
0x0: {  	(tag) =	ssettag $0x1  }
0x1: {  	s0 =	srdreg.scid  }
0x2: {  	s1 =	sshll.u32 s0, $0x4  }
0x3: {  	s0 =	stileid.u32;
	s1 =	sand.u32 $0x10, s1  }
0x4: {  	s1 =	sor.u32 s0, s1  }
0x5: {  	s6 =	rddreg [dreg:$0x0];
	s4 =	simm.s32 $0x1;
	s2 =	sshll.u32 s1, $0x7  }
0x6: {  	s7 =	simm.s32 $0x2;
	s12 =	simm.s32 $0x0;
	s1 =	ssub.s32 $0x1000, s2  }
0x7: {  	s8 =	simm.s32 $0x8000;
	s13 =	simm.s32 $0x0;
	s3 =	sand.u32 $0xF80, s1  }
0x8: {  	s9 =	simm.s32 $0x0;
	s5 =	sshrl.u32 s1, $0xC;
	p0 =	sne.s32 s3, $0x0  }
.Ltmp0:
0x9: {  	s1 =	rddreg [dreg:$0x2];
	s4 =	simm.s32 @!p0 $0x0;
	(pc) =	sbr.rel .LBB1_1-.Ltmp0, $4  }
0xa: {  	s11 =	simm.s32 $0x0;
	s3 =	rddreg [dreg:$0x1];
	s5 =	sadd.s32 s4, s5  }
0xb: {  	_ =	strace $0x8000004D;
	s4 =	simm.s32 $0x1;
	s5 =	smul.u32 $0x32, s5  }
0xc: {  	s6 =	sadd.s32 $0xA00, s6;
	s10 =	smov.u32 s2;
	[sflag:s4] =	ssyncpa.u1 $0x0  }
0xd: {  	p0 =	por $0x0, $0x0;
	[sflag:s7] =	ssyncpa.u1 $0x0;
	s7 =	sor.u32 $0x1, s5  }
.LBB1_4:
0xe: {  	s16 =	sshll.u32 s13, $0x3;
	s17 =	sand.u32 $0x78, s13  }
0xf: {  	s30 =	sand.u32 $0x7E00, s13;
	s12 =	sshll.u32 s12, $0xF;
	s16 =	sand.u32 $0xC00, s16  }
0x10: {  	[tilespmem:s15+$0x810 ss:$0x81] =	vst.msk $0xffff, v2;
	s31 =	sand.u32 $0x7, s13;
	s16 =	sor.u32 s17, s16;
	s17 =	sadd.s32 s3, s30  }
0x11: {  	[tilespmem:s15+$0x1020 ss:$0x81] =	vst.msk $0xffff, v0;
	s13 =	sshll.u32 s31, $0x12;
	s12 =	sadd.s32 s12, s17;
	s16 =	sshrl.u32 s16, $0x3  }
0x12: {  	[tilespmem:s15+$0x0 ss:$0x81] =	vst.msk $0xffff, v1;
	s13 =	sor.u32 $0x400, s13;
	s12 =	sadd.s32 s16, s12  }
0x13: {  	[hbm4b:s12+s13] =	stream.strided.scatter [tilespmem:s14], [sflag:$0x2], $0x2000, s8, s13, $0x20;
	[tilespmem:$0x8080] =	vst v63  }
.LBB1_5:
0x14: {  	s14 =	sadd.s32 $0x1, s9  }
0x15: {  	s12 =	sadd.s32 $0x1000, s10;
	s16 =	smov.u32 s10;
	p2 =	sgt.s32 s14, $0x31  }
0x16: {  	s16 =	smov.u32 @p2 s12  }
0x17: {  	s14 =	simm.s32 @p2 $0x0;
	p2 =	sgt.s32 s16, $0xFFF  }
0x18: {  	s16 =	smov.u32 @p2 s2;
	p2 =	sne.s32 s11, s7  }
.Ltmp1:
0x19: {  	p1 =	slt.u32 s11, $0x2;
	(pc) =	sbr.rel @!p2 .LBB1_6-.Ltmp1, $4  }
0x1a: {  	s15 =	simm.s32 @!p1 $0x2  }
0x1b: {  	s13 =	smov.u32 s10;
	p0 =	por !p0, !p0;
	_ =	swait.ge @!p1 [sflag:s15], $0x2000  }
0x1c: {  	s12 =	smov.u32 s9;
	[sflag:s15] =	ssyncset.done @!p1 $0x0;
	s9 =	smov.u32 s14  }
0x1d: {  	s11 =	sadd.s32 $0x1, s11;
	[sflag:s15] =	ssyncadd.s32 @!p1 $0xFFFFE000;
	s10 =	smov.u32 s16  }
.LBB1_1:
0x1e: {  	p1 =	sge.u32 s11, s5  }
0x1f: {  	s14 =	sand.u32 @!p1 $0x1FFFFFF, s9  }
0x20: {  	s15 =	smulhi.u32 @!p1 $0x4924925, s14;
	_ =	sdelay $0x1  }
0x21: {  	s15 =	smul.u32 @!p1 $0x38, s15  }
0x22: {  	s16 =	sxor.u32 @!p1 $0xFFFFFFFF, s11;
	s17 =	smul.u32 @!p1 $0x380, s10  }
0x23: {  	s31 =	sadd.s32 $0xFFFFFFFF, s11;
	s16 =	sshll.u32 @!p1 s16, $0xD;
	s14 =	ssub.s32 @!p1 s14, s15  }
0x24: {  	s15 =	sand.u32 @!p1 $0x2000, s16;
	s16 =	sadd.s32 @!p1 s6, s17;
	s14 =	sshll.u32 @!p1 s14, $0x4  }
0x25: {  	s17 =	simm.s32 @!p1 $0x1C00;
	s14 =	sadd.s32 @!p1 s14, s16;
	s16 =	simm.s32 @!p1 $0x40  }
0x26: {  	[tilespmem:s15], [sflag:$0x1] =	stream.strided.gather @!p1 [hbm4b:s14+s16], $0x2000, s17, s16, $0x38;
	[tilespmem:$0x8080] =	vst v63  }
0x27: {  	p1 =	sge.u32 s31, s5  }
.Ltmp2:
0x28: {  	_ = 	snop;
	(pc) =	sbr.rel @p1 .LBB1_5-.Ltmp2, $1  }
0x29: {  	_ =	sdelay $0x3  }
0x2a: {  	s14 =	simm.s32 $0x1  }
0x2b: {  	_ =	swait.ge [sflag:s4], $0x2000;
	s14 =	simm.s32 @!p0 $0x0  }
0x2c: {  	[sflag:s4] =	ssyncset.done $0x0;
	s15 =	sshll.u32 s14, $0xD  }
0x2d: {  	[sflag:s4] =	ssyncadd.s32 $0xFFFFE000;
	s18 =	sor.u32 $0x20, s15  }
0x2e: {  	s14 =	smul.u32 $0x8100, s14;
	v3 =	vld [tilespmem:s18+$0x10]  }
0x2f: {  	s30 =	sand.u32 $0x1, s11;
	v2 =	vld [tilespmem:s18+$0xFFFFFFF0]  }
0x30: {  	s15 =	smul.u32 $0x8100, s30;
	s14 =	sshrl.u32 s14, $0x2;
	v0 =	vld [tilespmem:s18+$0x0]  }
0x31: {  	v1 =	vld [tilespmem:s18+$0xFFFFFFE0];
	s16 =	sor.u32 $0x4000, s14  }
0x32: {  	s31 =	sshrl.u32 s15, $0x2;
	s15 =	sadd.s32 $0x0, s16  }
0x33: {  	s17 =	simm.s32 $0x4;
	s18 =	sadd.s32 $0x40, s18;
	s14 =	sor.u32 $0x4000, s31;
	[tilespmem:s15+$0x1830 ss:$0x81] =	vst.msk $0xffff, v3  }
.LBB1_3:
0x34: {  	v3 =	vld [tilespmem:s18+$0x10];
	p1 =	sne.s32 s17, $0x1FC;
	[tilespmem:s15+$0x810 ss:$0x81] =	vst.msk $0xffff, v2;
	s19 =	smov.u32 s17;
	s17 =	sadd.s32 $0x4, s17  }
.Ltmp3:
0x35: {  	v2 =	vld [tilespmem:s18+$0xFFFFFFF0];
	[tilespmem:s15+$0x1020 ss:$0x81] =	vst.msk $0xffff, v0;
	(pc) =	sbr.rel @p1 .LBB1_3-.Ltmp3, $4  }
0x36: {  	v0 =	vld [tilespmem:s18+$0x0];
	[tilespmem:s15+$0x0 ss:$0x81] =	vst.msk $0xffff, v1  }
0x37: {  	s15 =	sshra.s32 s19, $0x2;
	v1 =	vld [tilespmem:s18+$0xFFFFFFE0]  }
0x38: {  	s15 =	sadd.s32 s15, s16  }
0x39: {  	s18 =	sadd.s32 $0x40, s18;
	[tilespmem:s15+$0x1830 ss:$0x81] =	vst.msk $0xffff, v3  }
.Ltmp4:
0x3a: {  	_ = 	snop;
	(pc) =	sbr.rel .LBB1_4-.Ltmp4, $1  }
0x3b: {  	_ =	sdelay $0x3  }
.LBB1_6:
0x3c: {  	_ =	sfence.sel $0x180000  }
0x3d: {  	s2 =	simm.s32 $0x1;
	[bflag:$0x0] =	sbarrier.arrive $0xFFFF  }
0x3e: {  	s31 =	simm.s32 $0x2;
	[sflag:s2] =	ssyncpa.u1 $0x1  }
0x3f: {  	[sflag:s31] =	ssyncpa.u1 $0x1  }
0x40: {  	p0 =	sne.s32 s0, $0x0;
	_ =	strace $0x9000004D  }
0x41: {  	s0 =	sadd.s32 @!p0 $0x100000, s1;
	[bflag:$0x2] =	sbarrier.arrive $0xFFFF  }
0x42: {  	[sflag:s0] =	ssyncadd.tile.s32 @!p0 $0x1;
	_ =	shalt  }
.Lfunc_end1:
_tile_overlayer_lowered:
.L_overlay_start_2:
0x43: {  	(tag) =	ssettag $0x2  }
0x44: {  	s0 =	rddreg [dreg:$0x0];
	s2 =	stileid.u32  }
0x45: {  	s1 =	rddreg [dreg:$0x1];
	p0 =	sne.s32 s2, $0x0  }
0x46: {  	s3 =	rddreg [dreg:$0x2];
	[bflag:$0x3] =	sbarrier.arrive $0xFFFF;
	s2 =	simm.s32 @!p0 $0x1C01  }
0x47: {  	[timem:s3], [sflag:s2] =	dma.local @!p0 [hbm:s0], s1  }
0x48: {  	s0 =	simm.s32 @!p0 $0x1  }
0x49: {  	_ =	swait.ge @!p0 [sflag:s0], s1  }
0x4a: {  	s1 =	ssub.s32 @!p0 $0x0, s1;
	[sflag:s0] =	ssyncset.done @!p0 $0x0  }
0x4b: {  	[sflag:s0] =	ssyncadd.s32 @!p0 s1  }
0x4c: {  	[bflag:$0x3] =	sbarrier.arrive $0xFFFF  }
0x4d: {  	_ =	shalt  }

</sc_bundles>
